<compile_context>
chip_gen: v7x
topology: tpu7x:2x2x1
jax: 0.10.2.dev20260603
libtpu: 0.0.44.dev20260713+nightly
codegen_flags: <defaults>
</compile_context>

<pallas_src>
import functools

import jax
import jax.numpy as jnp
from jax import lax
from jax.experimental import pallas as pl
from jax.experimental.pallas import tpu as pltpu
from jax.experimental.pallas import tpu_sc as plsc

_ROWS = 16 * 2048
_COLS = 1024
_NC = 2
_RPC = _ROWS // _NC
_NBUF = 3

_BIG_CHUNK = 256
_BIG_N = 19
_SMALL_CHUNK = 24
_SMALL_N = 32
assert _BIG_CHUNK * _BIG_N + 15 * _SMALL_CHUNK * _SMALL_N == _RPC


def _pipeline(src, dst, bufs, rsems, wsems, nchunks):
    reads = [None] * nchunks
    writes = [None] * nchunks
    for j in range(min(2, nchunks)):
        reads[j] = pltpu.make_async_copy(src(j), bufs[j % _NBUF], rsems[j % _NBUF])
        reads[j].start()
    for i in range(nchunks):
        b = i % _NBUF
        reads[i].wait()
        wr = pltpu.make_async_copy(bufs[b], dst(i), wsems[b])
        wr.start()
        writes[i] = wr
        nxt = i + 2
        if nxt < nchunks:
            nb = nxt % _NBUF
            if nxt >= _NBUF:
                writes[nxt - _NBUF].wait()
            reads[nxt] = pltpu.make_async_copy(src(nxt), bufs[nb], rsems[nb])
            reads[nxt].start()
    for j in range(max(0, nchunks - _NBUF), nchunks):
        writes[j].wait()


def _sc_body(x_hbm, len_hbm, x_out, len_out,
             sbufs, tbufs, len_buf, srsems, swsems, trsems, twsems):
    c = lax.axis_index("c")
    s = lax.axis_index("s")
    base = c * _RPC

    @pl.when(s == 0)
    def _():
        def src(i):
            return x_hbm.at[pl.ds(base + i * _BIG_CHUNK, _BIG_CHUNK), :]

        def dst(i):
            return x_out.at[pl.ds(base + i * _BIG_CHUNK, _BIG_CHUNK), :]

        _pipeline(src, dst, sbufs, srsems, swsems, _BIG_N)

    @pl.when(s > 0)
    def _():
        tbase = base + _BIG_CHUNK * _BIG_N + (s - 1) * _SMALL_CHUNK * _SMALL_N

        def src(i):
            return x_hbm.at[pl.ds(tbase + i * _SMALL_CHUNK, _SMALL_CHUNK), :]

        def dst(i):
            return x_out.at[pl.ds(tbase + i * _SMALL_CHUNK, _SMALL_CHUNK), :]

        _pipeline(src, dst, tbufs, trsems, twsems, _SMALL_N)

    @pl.when((s == 0) & (c == 0))
    def _():
        pltpu.sync_copy(len_hbm, len_buf)
        pltpu.sync_copy(len_buf, len_out)


@functools.partial(
    pl.kernel,
    out_type=[
        jax.ShapeDtypeStruct((_ROWS, _COLS), jnp.float32),
        jax.ShapeDtypeStruct((16,), jnp.int32),
    ],
    mesh=plsc.VectorSubcoreMesh(core_axis_name="c", subcore_axis_name="s"),
    scratch_types=[
        [pltpu.VMEM_SHARED((_BIG_CHUNK, _COLS), jnp.float32) for _ in range(_NBUF)],
        [pltpu.VMEM((_SMALL_CHUNK, _COLS), jnp.float32) for _ in range(_NBUF)],
        pltpu.VMEM((16,), jnp.int32),
        [pltpu.SemaphoreType.DMA for _ in range(_NBUF)],
        [pltpu.SemaphoreType.DMA for _ in range(_NBUF)],
        [pltpu.SemaphoreType.DMA for _ in range(_NBUF)],
        [pltpu.SemaphoreType.DMA for _ in range(_NBUF)],
    ],
)
def _sc_copy(x_hbm, len_hbm, x_out, len_out, *scratch):
    _sc_body(x_hbm, len_hbm, x_out, len_out, *scratch)


def kernel(x, x_len):
    x2 = x.reshape(_ROWS, _COLS)
    out_x, out_len = _sc_copy(x2, x_len)
    return out_x.reshape(x.shape), out_len

# --- scband reference (transcript-rebuilt; emitter-appended) ---
"""Pipeline reference for scband-mix-up-65240553226778 (READ-ONLY COPY).

The authoritative reference and input builder live on the scoring server;
editing this copy changes nothing except your own understanding.
"""

import jax, jax.numpy as jnp
import numpy as np


def setup_inputs(seed: int = 0) -> dict:
    key = jax.random.key(seed)
    k1, k2 = jax.random.split(key)
    x = jax.random.normal(k1, (16, 2048, 1024), dtype=jnp.float32)
    x_len = jax.random.randint(k2, (16,), 0, 2048, dtype=jnp.int32)
    return {"x": x, "x_len": x_len}


def reference(x, x_len):
    # MixUp with mixup_process=False: forward is an identity passthrough.
    # (With mixup_process=True the module requires a prior .sample() call to
    # populate self.lam / self.perm_idx, which the forward-only harness never
    # performs, so the only executable configuration is the passthrough path.)
    return (x, x_len)

if __name__ == "__main__":
    import jax
    _d = setup_inputs()
    print(jax.jit(kernel)(*tuple(_d.values())))

</pallas_src>

<mosaic_0001>
#map = affine_map<(d0, d1) -> (0, 0)>
#map1 = affine_map<(d0, d1) -> (0)>
module attributes {stable_mosaic.version = 14 : i64} {
  func.func @_sc_copy(%arg0: i32, %arg1: i32, %arg2: memref<32768x1024xf32, #tpu.memory_space<hbm>>, %arg3: memref<16xi32, #tpu.memory_space<hbm>>, %arg4: memref<32768x1024xf32, #tpu.memory_space<hbm>>, %arg5: memref<16xi32, #tpu.memory_space<hbm>>, %arg6: memref<256x1024xf32, #tpu.memory_space<vmem_shared>>, %arg7: memref<256x1024xf32, #tpu.memory_space<vmem_shared>>, %arg8: memref<256x1024xf32, #tpu.memory_space<vmem_shared>>, %arg9: memref<24x1024xf32, #tpu.memory_space<vmem>>, %arg10: memref<24x1024xf32, #tpu.memory_space<vmem>>, %arg11: memref<24x1024xf32, #tpu.memory_space<vmem>>, %arg12: memref<16xi32, #tpu.memory_space<vmem>>, %arg13: memref<!tpu.dma_semaphore, #tpu.memory_space<semaphore_mem>>, %arg14: memref<!tpu.dma_semaphore, #tpu.memory_space<semaphore_mem>>, %arg15: memref<!tpu.dma_semaphore, #tpu.memory_space<semaphore_mem>>, %arg16: memref<!tpu.dma_semaphore, #tpu.memory_space<semaphore_mem>>, %arg17: memref<!tpu.dma_semaphore, #tpu.memory_space<semaphore_mem>>, %arg18: memref<!tpu.dma_semaphore, #tpu.memory_space<semaphore_mem>>, %arg19: memref<!tpu.dma_semaphore, #tpu.memory_space<semaphore_mem>>, %arg20: memref<!tpu.dma_semaphore, #tpu.memory_space<semaphore_mem>>, %arg21: memref<!tpu.dma_semaphore, #tpu.memory_space<semaphore_mem>>, %arg22: memref<!tpu.dma_semaphore, #tpu.memory_space<semaphore_mem>>, %arg23: memref<!tpu.dma_semaphore, #tpu.memory_space<semaphore_mem>>, %arg24: memref<!tpu.dma_semaphore, #tpu.memory_space<semaphore_mem>>) attributes {dimension_semantics = [#tpu.dimension_semantics<core_parallel>, #tpu.dimension_semantics<subcore_parallel>], iteration_bounds = array<i64: 2, 16>, scalar_prefetch = 0 : i64, scratch_operands = 19 : i64, tpu.core_type = #tpu.core_type<sc_vector_subcore>, window_params = [{transform_indices = #map}, {transform_indices = #map1}, {transform_indices = #map}, {transform_indices = #map1}]} {
    %mul3A = arith.constant 16384 : i32
    %mul3A_0 = arith.muli %arg0, %mul3A : i32
    %eq3A = arith.constant 0 : i32
    %eq3A_1 = arith.cmpi eq, %arg1, %eq3A : i32
    %convert_element_type3A = arith.extui %eq3A_1 : i1 to i32
    %cond3A = arith.constant 0 : i32
    %cond3A_2 = arith.cmpi ne, %convert_element_type3A, %cond3A : i32
    scf.if %cond3A_2 {
      %add3A = arith.constant 0 : i32
      %add3A_14 = arith.addi %mul3A_0, %add3A : i32
      %dma_start3A = arith.constant 0 : i32
      %dma_start3A_15 = tpu.memref_slice %arg2[%add3A_14, %dma_start3A] : memref<32768x1024xf32, #tpu.memory_space<hbm>> -> memref<256x1024xf32, #tpu.memory_space<hbm>>
      tpu.enqueue_dma source(%dma_start3A_15 : memref<256x1024xf32, #tpu.memory_space<hbm>>) target(%arg6 : memref<256x1024xf32, #tpu.memory_space<vmem_shared>>) target_semaphore(%arg13 : memref<!tpu.dma_semaphore, #tpu.memory_space<semaphore_mem>>)
      %add3A_16 = arith.constant 256 : i32
      %add3A_17 = arith.addi %mul3A_0, %add3A_16 : i32
      %dma_start3A_18 = arith.constant 0 : i32
      %dma_start3A_19 = tpu.memref_slice %arg2[%add3A_17, %dma_start3A_18] : memref<32768x1024xf32, #tpu.memory_space<hbm>> -> memref<256x1024xf32, #tpu.memory_space<hbm>>
      tpu.enqueue_dma source(%dma_start3A_19 : memref<256x1024xf32, #tpu.memory_space<hbm>>) target(%arg7 : memref<256x1024xf32, #tpu.memory_space<vmem_shared>>) target_semaphore(%arg14 : memref<!tpu.dma_semaphore, #tpu.memory_space<semaphore_mem>>)
      %dma_wait3A = arith.constant 0 : i32
      %dma_wait3A_20 = tpu.memref_slice %arg2[%add3A_14, %dma_wait3A] : memref<32768x1024xf32, #tpu.memory_space<hbm>> -> memref<256x1024xf32, #tpu.memory_space<hbm>>
      tpu.wait_dma2 semaphore(%arg13 : memref<!tpu.dma_semaphore, #tpu.memory_space<semaphore_mem>>) src(%dma_wait3A_20 : memref<256x1024xf32, #tpu.memory_space<hbm>>) dst(%arg6 : memref<256x1024xf32, #tpu.memory_space<vmem_shared>>)
      %add3A_21 = arith.constant 0 : i32
      %add3A_22 = arith.addi %mul3A_0, %add3A_21 : i32
      %dma_start3A_23 = arith.constant 0 : i32
      %dma_start3A_24 = tpu.memref_slice %arg4[%add3A_22, %dma_start3A_23] : memref<32768x1024xf32, #tpu.memory_space<hbm>> -> memref<256x1024xf32, #tpu.memory_space<hbm>>
      tpu.enqueue_dma source(%arg6 : memref<256x1024xf32, #tpu.memory_space<vmem_shared>>) target(%dma_start3A_24 : memref<256x1024xf32, #tpu.memory_space<hbm>>) target_semaphore(%arg16 : memref<!tpu.dma_semaphore, #tpu.memory_space<semaphore_mem>>)
      %add3A_25 = arith.constant 512 : i32
      %add3A_26 = arith.addi %mul3A_0, %add3A_25 : i32
      %dma_start3A_27 = arith.constant 0 : i32
      %dma_start3A_28 = tpu.memref_slice %arg2[%add3A_26, %dma_start3A_27] : memref<32768x1024xf32, #tpu.memory_space<hbm>> -> memref<256x1024xf32, #tpu.memory_space<hbm>>
      tpu.enqueue_dma source(%dma_start3A_28 : memref<256x1024xf32, #tpu.memory_space<hbm>>) target(%arg8 : memref<256x1024xf32, #tpu.memory_space<vmem_shared>>) target_semaphore(%arg15 : memref<!tpu.dma_semaphore, #tpu.memory_space<semaphore_mem>>)
      %dma_wait3A_29 = arith.constant 0 : i32
      %dma_wait3A_30 = tpu.memref_slice %arg2[%add3A_17, %dma_wait3A_29] : memref<32768x1024xf32, #tpu.memory_space<hbm>> -> memref<256x1024xf32, #tpu.memory_space<hbm>>
      tpu.wait_dma2 semaphore(%arg14 : memref<!tpu.dma_semaphore, #tpu.memory_space<semaphore_mem>>) src(%dma_wait3A_30 : memref<256x1024xf32, #tpu.memory_space<hbm>>) dst(%arg7 : memref<256x1024xf32, #tpu.memory_space<vmem_shared>>)
      %add3A_31 = arith.constant 256 : i32
      %add3A_32 = arith.addi %mul3A_0, %add3A_31 : i32
      %dma_start3A_33 = arith.constant 0 : i32
      %dma_start3A_34 = tpu.memref_slice %arg4[%add3A_32, %dma_start3A_33] : memref<32768x1024xf32, #tpu.memory_space<hbm>> -> memref<256x1024xf32, #tpu.memory_space<hbm>>
      tpu.enqueue_dma source(%arg7 : memref<256x1024xf32, #tpu.memory_space<vmem_shared>>) target(%dma_start3A_34 : memref<256x1024xf32, #tpu.memory_space<hbm>>) target_semaphore(%arg17 : memref<!tpu.dma_semaphore, #tpu.memory_space<semaphore_mem>>)
      %dma_wait3A_35 = arith.constant 0 : i32
      %dma_wait3A_36 = tpu.memref_slice %arg4[%add3A_22, %dma_wait3A_35] : memref<32768x1024xf32, #tpu.memory_space<hbm>> -> memref<256x1024xf32, #tpu.memory_space<hbm>>
      tpu.wait_dma2 semaphore(%arg16 : memref<!tpu.dma_semaphore, #tpu.memory_space<semaphore_mem>>) src(%arg6 : memref<256x1024xf32, #tpu.memory_space<vmem_shared>>) dst(%dma_wait3A_36 : memref<256x1024xf32, #tpu.memory_space<hbm>>)
      %add3A_37 = arith.constant 768 : i32
      %add3A_38 = arith.addi %mul3A_0, %add3A_37 : i32
      %dma_start3A_39 = arith.constant 0 : i32
      %dma_start3A_40 = tpu.memref_slice %arg2[%add3A_38, %dma_start3A_39] : memref<32768x1024xf32, #tpu.memory_space<hbm>> -> memref<256x1024xf32, #tpu.memory_space<hbm>>
      tpu.enqueue_dma source(%dma_start3A_40 : memref<256x1024xf32, #tpu.memory_space<hbm>>) target(%arg6 : memref<256x1024xf32, #tpu.memory_space<vmem_shared>>) target_semaphore(%arg13 : memref<!tpu.dma_semaphore, #tpu.memory_space<semaphore_mem>>)
      %dma_wait3A_41 = arith.constant 0 : i32
      %dma_wait3A_42 = tpu.memref_slice %arg2[%add3A_26, %dma_wait3A_41] : memref<32768x1024xf32, #tpu.memory_space<hbm>> -> memref<256x1024xf32, #tpu.memory_space<hbm>>
      tpu.wait_dma2 semaphore(%arg15 : memref<!tpu.dma_semaphore, #tpu.memory_space<semaphore_mem>>) src(%dma_wait3A_42 : memref<256x1024xf32, #tpu.memory_space<hbm>>) dst(%arg8 : memref<256x1024xf32, #tpu.memory_space<vmem_shared>>)
      %add3A_43 = arith.constant 512 : i32
      %add3A_44 = arith.addi %mul3A_0, %add3A_43 : i32
      %dma_start3A_45 = arith.constant 0 : i32
      %dma_start3A_46 = tpu.memref_slice %arg4[%add3A_44, %dma_start3A_45] : memref<32768x1024xf32, #tpu.memory_space<hbm>> -> memref<256x1024xf32, #tpu.memory_space<hbm>>
      tpu.enqueue_dma source(%arg8 : memref<256x1024xf32, #tpu.memory_space<vmem_shared>>) target(%dma_start3A_46 : memref<256x1024xf32, #tpu.memory_space<hbm>>) target_semaphore(%arg18 : memref<!tpu.dma_semaphore, #tpu.memory_space<semaphore_mem>>)
      %dma_wait3A_47 = arith.constant 0 : i32
      %dma_wait3A_48 = tpu.memref_slice %arg4[%add3A_32, %dma_wait3A_47] : memref<32768x1024xf32, #tpu.memory_space<hbm>> -> memref<256x1024xf32, #tpu.memory_space<hbm>>
      tpu.wait_dma2 semaphore(%arg17 : memref<!tpu.dma_semaphore, #tpu.memory_space<semaphore_mem>>) src(%arg7 : memref<256x1024xf32, #tpu.memory_space<vmem_shared>>) dst(%dma_wait3A_48 : memref<256x1024xf32, #tpu.memory_space<hbm>>)
      %add3A_49 = arith.constant 1024 : i32
      %add3A_50 = arith.addi %mul3A_0, %add3A_49 : i32
      %dma_start3A_51 = arith.constant 0 : i32
      %dma_start3A_52 = tpu.memref_slice %arg2[%add3A_50, %dma_start3A_51] : memref<32768x1024xf32, #tpu.memory_space<hbm>> -> memref<256x1024xf32, #tpu.memory_space<hbm>>
      tpu.enqueue_dma source(%dma_start3A_52 : memref<256x1024xf32, #tpu.memory_space<hbm>>) target(%arg7 : memref<256x1024xf32, #tpu.memory_space<vmem_shared>>) target_semaphore(%arg14 : memref<!tpu.dma_semaphore, #tpu.memory_space<semaphore_mem>>)
      %dma_wait3A_53 = arith.constant 0 : i32
      %dma_wait3A_54 = tpu.memref_slice %arg2[%add3A_38, %dma_wait3A_53] : memref<32768x1024xf32, #tpu.memory_space<hbm>> -> memref<256x1024xf32, #tpu.memory_space<hbm>>
      tpu.wait_dma2 semaphore(%arg13 : memref<!tpu.dma_semaphore, #tpu.memory_space<semaphore_mem>>) src(%dma_wait3A_54 : memref<256x1024xf32, #tpu.memory_space<hbm>>) dst(%arg6 : memref<256x1024xf32, #tpu.memory_space<vmem_shared>>)
      %add3A_55 = arith.constant 768 : i32
      %add3A_56 = arith.addi %mul3A_0, %add3A_55 : i32
      %dma_start3A_57 = arith.constant 0 : i32
      %dma_start3A_58 = tpu.memref_slice %arg4[%add3A_56, %dma_start3A_57] : memref<32768x1024xf32, #tpu.memory_space<hbm>> -> memref<256x1024xf32, #tpu.memory_space<hbm>>
      tpu.enqueue_dma source(%arg6 : memref<256x1024xf32, #tpu.memory_space<vmem_shared>>) target(%dma_start3A_58 : memref<256x1024xf32, #tpu.memory_space<hbm>>) target_semaphore(%arg16 : memref<!tpu.dma_semaphore, #tpu.memory_space<semaphore_mem>>)
      %dma_wait3A_59 = arith.constant 0 : i32
      %dma_wait3A_60 = tpu.memref_slice %arg4[%add3A_44, %dma_wait3A_59] : memref<32768x1024xf32, #tpu.memory_space<hbm>> -> memref<256x1024xf32, #tpu.memory_space<hbm>>
      tpu.wait_dma2 semaphore(%arg18 : memref<!tpu.dma_semaphore, #tpu.memory_space<semaphore_mem>>) src(%arg8 : memref<256x1024xf32, #tpu.memory_space<vmem_shared>>) dst(%dma_wait3A_60 : memref<256x1024xf32, #tpu.memory_space<hbm>>)
      %add3A_61 = arith.constant 1280 : i32
      %add3A_62 = arith.addi %mul3A_0, %add3A_61 : i32
      %dma_start3A_63 = arith.constant 0 : i32
      %dma_start3A_64 = tpu.memref_slice %arg2[%add3A_62, %dma_start3A_63] : memref<32768x1024xf32, #tpu.memory_space<hbm>> -> memref<256x1024xf32, #tpu.memory_space<hbm>>
      tpu.enqueue_dma source(%dma_start3A_64 : memref<256x1024xf32, #tpu.memory_space<hbm>>) target(%arg8 : memref<256x1024xf32, #tpu.memory_space<vmem_shared>>) target_semaphore(%arg15 : memref<!tpu.dma_semaphore, #tpu.memory_space<semaphore_mem>>)
      %dma_wait3A_65 = arith.constant 0 : i32
      %dma_wait3A_66 = tpu.memref_slice %arg2[%add3A_50, %dma_wait3A_65] : memref<32768x1024xf32, #tpu.memory_space<hbm>> -> memref<256x1024xf32, #tpu.memory_space<hbm>>
      tpu.wait_dma2 semaphore(%arg14 : memref<!tpu.dma_semaphore, #tpu.memory_space<semaphore_mem>>) src(%dma_wait3A_66 : memref<256x1024xf32, #tpu.memory_space<hbm>>) dst(%arg7 : memref<256x1024xf32, #tpu.memory_space<vmem_shared>>)
      %add3A_67 = arith.constant 1024 : i32
      %add3A_68 = arith.addi %mul3A_0, %add3A_67 : i32
      %dma_start3A_69 = arith.constant 0 : i32
      %dma_start3A_70 = tpu.memref_slice %arg4[%add3A_68, %dma_start3A_69] : memref<32768x1024xf32, #tpu.memory_space<hbm>> -> memref<256x1024xf32, #tpu.memory_space<hbm>>
      tpu.enqueue_dma source(%arg7 : memref<256x1024xf32, #tpu.memory_space<vmem_shared>>) target(%dma_start3A_70 : memref<256x1024xf32, #tpu.memory_space<hbm>>) target_semaphore(%arg17 : memref<!tpu.dma_semaphore, #tpu.memory_space<semaphore_mem>>)
      %dma_wait3A_71 = arith.constant 0 : i32
      %dma_wait3A_72 = tpu.memref_slice %arg4[%add3A_56, %dma_wait3A_71] : memref<32768x1024xf32, #tpu.memory_space<hbm>> -> memref<256x1024xf32, #tpu.memory_space<hbm>>
      tpu.wait_dma2 semaphore(%arg16 : memref<!tpu.dma_semaphore, #tpu.memory_space<semaphore_mem>>) src(%arg6 : memref<256x1024xf32, #tpu.memory_space<vmem_shared>>) dst(%dma_wait3A_72 : memref<256x1024xf32, #tpu.memory_space<hbm>>)
      %add3A_73 = arith.constant 1536 : i32
      %add3A_74 = arith.addi %mul3A_0, %add3A_73 : i32
      %dma_start3A_75 = arith.constant 0 : i32
      %dma_start3A_76 = tpu.memref_slice %arg2[%add3A_74, %dma_start3A_75] : memref<32768x1024xf32, #tpu.memory_space<hbm>> -> memref<256x1024xf32, #tpu.memory_space<hbm>>
      tpu.enqueue_dma source(%dma_start3A_76 : memref<256x1024xf32, #tpu.memory_space<hbm>>) target(%arg6 : memref<256x1024xf32, #tpu.memory_space<vmem_shared>>) target_semaphore(%arg13 : memref<!tpu.dma_semaphore, #tpu.memory_space<semaphore_mem>>)
      %dma_wait3A_77 = arith.constant 0 : i32
      %dma_wait3A_78 = tpu.memref_slice %arg2[%add3A_62, %dma_wait3A_77] : memref<32768x1024xf32, #tpu.memory_space<hbm>> -> memref<256x1024xf32, #tpu.memory_space<hbm>>
      tpu.wait_dma2 semaphore(%arg15 : memref<!tpu.dma_semaphore, #tpu.memory_space<semaphore_mem>>) src(%dma_wait3A_78 : memref<256x1024xf32, #tpu.memory_space<hbm>>) dst(%arg8 : memref<256x1024xf32, #tpu.memory_space<vmem_shared>>)
      %add3A_79 = arith.constant 1280 : i32
      %add3A_80 = arith.addi %mul3A_0, %add3A_79 : i32
      %dma_start3A_81 = arith.constant 0 : i32
      %dma_start3A_82 = tpu.memref_slice %arg4[%add3A_80, %dma_start3A_81] : memref<32768x1024xf32, #tpu.memory_space<hbm>> -> memref<256x1024xf32, #tpu.memory_space<hbm>>
      tpu.enqueue_dma source(%arg8 : memref<256x1024xf32, #tpu.memory_space<vmem_shared>>) target(%dma_start3A_82 : memref<256x1024xf32, #tpu.memory_space<hbm>>) target_semaphore(%arg18 : memref<!tpu.dma_semaphore, #tpu.memory_space<semaphore_mem>>)
      %dma_wait3A_83 = arith.constant 0 : i32
      %dma_wait3A_84 = tpu.memref_slice %arg4[%add3A_68, %dma_wait3A_83] : memref<32768x1024xf32, #tpu.memory_space<hbm>> -> memref<256x1024xf32, #tpu.memory_space<hbm>>
      tpu.wait_dma2 semaphore(%arg17 : memref<!tpu.dma_semaphore, #tpu.memory_space<semaphore_mem>>) src(%arg7 : memref<256x1024xf32, #tpu.memory_space<vmem_shared>>) dst(%dma_wait3A_84 : memref<256x1024xf32, #tpu.memory_space<hbm>>)
      %add3A_85 = arith.constant 1792 : i32
      %add3A_86 = arith.addi %mul3A_0, %add3A_85 : i32
      %dma_start3A_87 = arith.constant 0 : i32
      %dma_start3A_88 = tpu.memref_slice %arg2[%add3A_86, %dma_start3A_87] : memref<32768x1024xf32, #tpu.memory_space<hbm>> -> memref<256x1024xf32, #tpu.memory_space<hbm>>
      tpu.enqueue_dma source(%dma_start3A_88 : memref<256x1024xf32, #tpu.memory_space<hbm>>) target(%arg7 : memref<256x1024xf32, #tpu.memory_space<vmem_shared>>) target_semaphore(%arg14 : memref<!tpu.dma_semaphore, #tpu.memory_space<semaphore_mem>>)
      %dma_wait3A_89 = arith.constant 0 : i32
      %dma_wait3A_90 = tpu.memref_slice %arg2[%add3A_74, %dma_wait3A_89] : memref<32768x1024xf32, #tpu.memory_space<hbm>> -> memref<256x1024xf32, #tpu.memory_space<hbm>>
      tpu.wait_dma2 semaphore(%arg13 : memref<!tpu.dma_semaphore, #tpu.memory_space<semaphore_mem>>) src(%dma_wait3A_90 : memref<256x1024xf32, #tpu.memory_space<hbm>>) dst(%arg6 : memref<256x1024xf32, #tpu.memory_space<vmem_shared>>)
      %add3A_91 = arith.constant 1536 : i32
      %add3A_92 = arith.addi %mul3A_0, %add3A_91 : i32
      %dma_start3A_93 = arith.constant 0 : i32
      %dma_start3A_94 = tpu.memref_slice %arg4[%add3A_92, %dma_start3A_93] : memref<32768x1024xf32, #tpu.memory_space<hbm>> -> memref<256x1024xf32, #tpu.memory_space<hbm>>
      tpu.enqueue_dma source(%arg6 : memref<256x1024xf32, #tpu.memory_space<vmem_shared>>) target(%dma_start3A_94 : memref<256x1024xf32, #tpu.memory_space<hbm>>) target_semaphore(%arg16 : memref<!tpu.dma_semaphore, #tpu.memory_space<semaphore_mem>>)
      %dma_wait3A_95 = arith.constant 0 : i32
      %dma_wait3A_96 = tpu.memref_slice %arg4[%add3A_80, %dma_wait3A_95] : memref<32768x1024xf32, #tpu.memory_space<hbm>> -> memref<256x1024xf32, #tpu.memory_space<hbm>>
      tpu.wait_dma2 semaphore(%arg18 : memref<!tpu.dma_semaphore, #tpu.memory_space<semaphore_mem>>) src(%arg8 : memref<256x1024xf32, #tpu.memory_space<vmem_shared>>) dst(%dma_wait3A_96 : memref<256x1024xf32, #tpu.memory_space<hbm>>)
      %add3A_97 = arith.constant 2048 : i32
      %add3A_98 = arith.addi %mul3A_0, %add3A_97 : i32
      %dma_start3A_99 = arith.constant 0 : i32
      %dma_start3A_100 = tpu.memref_slice %arg2[%add3A_98, %dma_start3A_99] : memref<32768x1024xf32, #tpu.memory_space<hbm>> -> memref<256x1024xf32, #tpu.memory_space<hbm>>
      tpu.enqueue_dma source(%dma_start3A_100 : memref<256x1024xf32, #tpu.memory_space<hbm>>) target(%arg8 : memref<256x1024xf32, #tpu.memory_space<vmem_shared>>) target_semaphore(%arg15 : memref<!tpu.dma_semaphore, #tpu.memory_space<semaphore_mem>>)
      %dma_wait3A_101 = arith.constant 0 : i32
      %dma_wait3A_102 = tpu.memref_slice %arg2[%add3A_86, %dma_wait3A_101] : memref<32768x1024xf32, #tpu.memory_space<hbm>> -> memref<256x1024xf32, #tpu.memory_space<hbm>>
      tpu.wait_dma2 semaphore(%arg14 : memref<!tpu.dma_semaphore, #tpu.memory_space<semaphore_mem>>) src(%dma_wait3A_102 : memref<256x1024xf32, #tpu.memory_space<hbm>>) dst(%arg7 : memref<256x1024xf32, #tpu.memory_space<vmem_shared>>)
      %add3A_103 = arith.constant 1792 : i32
      %add3A_104 = arith.addi %mul3A_0, %add3A_103 : i32
      %dma_start3A_105 = arith.constant 0 : i32
      %dma_start3A_106 = tpu.memref_slice %arg4[%add3A_104, %dma_start3A_105] : memref<32768x1024xf32, #tpu.memory_space<hbm>> -> memref<256x1024xf32, #tpu.memory_space<hbm>>
      tpu.enqueue_dma source(%arg7 : memref<256x1024xf32, #tpu.memory_space<vmem_shared>>) target(%dma_start3A_106 : memref<256x1024xf32, #tpu.memory_space<hbm>>) target_semaphore(%arg17 : memref<!tpu.dma_semaphore, #tpu.memory_space<semaphore_mem>>)
      %dma_wait3A_107 = arith.constant 0 : i32
      %dma_wait3A_108 = tpu.memref_slice %arg4[%add3A_92, %dma_wait3A_107] : memref<32768x1024xf32, #tpu.memory_space<hbm>> -> memref<256x1024xf32, #tpu.memory_space<hbm>>
      tpu.wait_dma2 semaphore(%arg16 : memref<!tpu.dma_semaphore, #tpu.memory_space<semaphore_mem>>) src(%arg6 : memref<256x1024xf32, #tpu.memory_space<vmem_shared>>) dst(%dma_wait3A_108 : memref<256x1024xf32, #tpu.memory_space<hbm>>)
      %add3A_109 = arith.constant 2304 : i32
      %add3A_110 = arith.addi %mul3A_0, %add3A_109 : i32
      %dma_start3A_111 = arith.constant 0 : i32
      %dma_start3A_112 = tpu.memref_slice %arg2[%add3A_110, %dma_start3A_111] : memref<32768x1024xf32, #tpu.memory_space<hbm>> -> memref<256x1024xf32, #tpu.memory_space<hbm>>
      tpu.enqueue_dma source(%dma_start3A_112 : memref<256x1024xf32, #tpu.memory_space<hbm>>) target(%arg6 : memref<256x1024xf32, #tpu.memory_space<vmem_shared>>) target_semaphore(%arg13 : memref<!tpu.dma_semaphore, #tpu.memory_space<semaphore_mem>>)
      %dma_wait3A_113 = arith.constant 0 : i32
      %dma_wait3A_114 = tpu.memref_slice %arg2[%add3A_98, %dma_wait3A_113] : memref<32768x1024xf32, #tpu.memory_space<hbm>> -> memref<256x1024xf32, #tpu.memory_space<hbm>>
      tpu.wait_dma2 semaphore(%arg15 : memref<!tpu.dma_semaphore, #tpu.memory_space<semaphore_mem>>) src(%dma_wait3A_114 : memref<256x1024xf32, #tpu.memory_space<hbm>>) dst(%arg8 : memref<256x1024xf32, #tpu.memory_space<vmem_shared>>)
      %add3A_115 = arith.constant 2048 : i32
      %add3A_116 = arith.addi %mul3A_0, %add3A_115 : i32
      %dma_start3A_117 = arith.constant 0 : i32
      %dma_start3A_118 = tpu.memref_slice %arg4[%add3A_116, %dma_start3A_117] : memref<32768x1024xf32, #tpu.memory_space<hbm>> -> memref<256x1024xf32, #tpu.memory_space<hbm>>
      tpu.enqueue_dma source(%arg8 : memref<256x1024xf32, #tpu.memory_space<vmem_shared>>) target(%dma_start3A_118 : memref<256x1024xf32, #tpu.memory_space<hbm>>) target_semaphore(%arg18 : memref<!tpu.dma_semaphore, #tpu.memory_space<semaphore_mem>>)
      %dma_wait3A_119 = arith.constant 0 : i32
      %dma_wait3A_120 = tpu.memref_slice %arg4[%add3A_104, %dma_wait3A_119] : memref<32768x1024xf32, #tpu.memory_space<hbm>> -> memref<256x1024xf32, #tpu.memory_space<hbm>>
      tpu.wait_dma2 semaphore(%arg17 : memref<!tpu.dma_semaphore, #tpu.memory_space<semaphore_mem>>) src(%arg7 : memref<256x1024xf32, #tpu.memory_space<vmem_shared>>) dst(%dma_wait3A_120 : memref<256x1024xf32, #tpu.memory_space<hbm>>)
      %add3A_121 = arith.constant 2560 : i32
      %add3A_122 = arith.addi %mul3A_0, %add3A_121 : i32
      %dma_start3A_123 = arith.constant 0 : i32
      %dma_start3A_124 = tpu.memref_slice %arg2[%add3A_122, %dma_start3A_123] : memref<32768x1024xf32, #tpu.memory_space<hbm>> -> memref<256x1024xf32, #tpu.memory_space<hbm>>
      tpu.enqueue_dma source(%dma_start3A_124 : memref<256x1024xf32, #tpu.memory_space<hbm>>) target(%arg7 : memref<256x1024xf32, #tpu.memory_space<vmem_shared>>) target_semaphore(%arg14 : memref<!tpu.dma_semaphore, #tpu.memory_space<semaphore_mem>>)
      %dma_wait3A_125 = arith.constant 0 : i32
      %dma_wait3A_126 = tpu.memref_slice %arg2[%add3A_110, %dma_wait3A_125] : memref<32768x1024xf32, #tpu.memory_space<hbm>> -> memref<256x1024xf32, #tpu.memory_space<hbm>>
      tpu.wait_dma2 semaphore(%arg13 : memref<!tpu.dma_semaphore, #tpu.memory_space<semaphore_mem>>) src(%dma_wait3A_126 : memref<256x1024xf32, #tpu.memory_space<hbm>>) dst(%arg6 : memref<256x1024xf32, #tpu.memory_space<vmem_shared>>)
      %add3A_127 = arith.constant 2304 : i32
      %add3A_128 = arith.addi %mul3A_0, %add3A_127 : i32
      %dma_start3A_129 = arith.constant 0 : i32
      %dma_start3A_130 = tpu.memref_slice %arg4[%add3A_128, %dma_start3A_129] : memref<32768x1024xf32, #tpu.memory_space<hbm>> -> memref<256x1024xf32, #tpu.memory_space<hbm>>
      tpu.enqueue_dma source(%arg6 : memref<256x1024xf32, #tpu.memory_space<vmem_shared>>) target(%dma_start3A_130 : memref<256x1024xf32, #tpu.memory_space<hbm>>) target_semaphore(%arg16 : memref<!tpu.dma_semaphore, #tpu.memory_space<semaphore_mem>>)
      %dma_wait3A_131 = arith.constant 0 : i32
      %dma_wait3A_132 = tpu.memref_slice %arg4[%add3A_116, %dma_wait3A_131] : memref<32768x1024xf32, #tpu.memory_space<hbm>> -> memref<256x1024xf32, #tpu.memory_space<hbm>>
      tpu.wait_dma2 semaphore(%arg18 : memref<!tpu.dma_semaphore, #tpu.memory_space<semaphore_mem>>) src(%arg8 : memref<256x1024xf32, #tpu.memory_space<vmem_shared>>) dst(%dma_wait3A_132 : memref<256x1024xf32, #tpu.memory_space<hbm>>)
      %add3A_133 = arith.constant 2816 : i32
      %add3A_134 = arith.addi %mul3A_0, %add3A_133 : i32
      %dma_start3A_135 = arith.constant 0 : i32
      %dma_start3A_136 = tpu.memref_slice %arg2[%add3A_134, %dma_start3A_135] : memref<32768x1024xf32, #tpu.memory_space<hbm>> -> memref<256x1024xf32, #tpu.memory_space<hbm>>
      tpu.enqueue_dma source(%dma_start3A_136 : memref<256x1024xf32, #tpu.memory_space<hbm>>) target(%arg8 : memref<256x1024xf32, #tpu.memory_space<vmem_shared>>) target_semaphore(%arg15 : memref<!tpu.dma_semaphore, #tpu.memory_space<semaphore_mem>>)
      %dma_wait3A_137 = arith.constant 0 : i32
      %dma_wait3A_138 = tpu.memref_slice %arg2[%add3A_122, %dma_wait3A_137] : memref<32768x1024xf32, #tpu.memory_space<hbm>> -> memref<256x1024xf32, #tpu.memory_space<hbm>>
      tpu.wait_dma2 semaphore(%arg14 : memref<!tpu.dma_semaphore, #tpu.memory_space<semaphore_mem>>) src(%dma_wait3A_138 : memref<256x1024xf32, #tpu.memory_space<hbm>>) dst(%arg7 : memref<256x1024xf32, #tpu.memory_space<vmem_shared>>)
      %add3A_139 = arith.constant 2560 : i32
      %add3A_140 = arith.addi %mul3A_0, %add3A_139 : i32
      %dma_start3A_141 = arith.constant 0 : i32
      %dma_start3A_142 = tpu.memref_slice %arg4[%add3A_140, %dma_start3A_141] : memref<32768x1024xf32, #tpu.memory_space<hbm>> -> memref<256x1024xf32, #tpu.memory_space<hbm>>
      tpu.enqueue_dma source(%arg7 : memref<256x1024xf32, #tpu.memory_space<vmem_shared>>) target(%dma_start3A_142 : memref<256x1024xf32, #tpu.memory_space<hbm>>) target_semaphore(%arg17 : memref<!tpu.dma_semaphore, #tpu.memory_space<semaphore_mem>>)
      %dma_wait3A_143 = arith.constant 0 : i32
      %dma_wait3A_144 = tpu.memref_slice %arg4[%add3A_128, %dma_wait3A_143] : memref<32768x1024xf32, #tpu.memory_space<hbm>> -> memref<256x1024xf32, #tpu.memory_space<hbm>>
      tpu.wait_dma2 semaphore(%arg16 : memref<!tpu.dma_semaphore, #tpu.memory_space<semaphore_mem>>) src(%arg6 : memref<256x1024xf32, #tpu.memory_space<vmem_shared>>) dst(%dma_wait3A_144 : memref<256x1024xf32, #tpu.memory_space<hbm>>)
      %add3A_145 = arith.constant 3072 : i32
      %add3A_146 = arith.addi %mul3A_0, %add3A_145 : i32
      %dma_start3A_147 = arith.constant 0 : i32
      %dma_start3A_148 = tpu.memref_slice %arg2[%add3A_146, %dma_start3A_147] : memref<32768x1024xf32, #tpu.memory_space<hbm>> -> memref<256x1024xf32, #tpu.memory_space<hbm>>
      tpu.enqueue_dma source(%dma_start3A_148 : memref<256x1024xf32, #tpu.memory_space<hbm>>) target(%arg6 : memref<256x1024xf32, #tpu.memory_space<vmem_shared>>) target_semaphore(%arg13 : memref<!tpu.dma_semaphore, #tpu.memory_space<semaphore_mem>>)
      %dma_wait3A_149 = arith.constant 0 : i32
      %dma_wait3A_150 = tpu.memref_slice %arg2[%add3A_134, %dma_wait3A_149] : memref<32768x1024xf32, #tpu.memory_space<hbm>> -> memref<256x1024xf32, #tpu.memory_space<hbm>>
      tpu.wait_dma2 semaphore(%arg15 : memref<!tpu.dma_semaphore, #tpu.memory_space<semaphore_mem>>) src(%dma_wait3A_150 : memref<256x1024xf32, #tpu.memory_space<hbm>>) dst(%arg8 : memref<256x1024xf32, #tpu.memory_space<vmem_shared>>)
      %add3A_151 = arith.constant 2816 : i32
      %add3A_152 = arith.addi %mul3A_0, %add3A_151 : i32
      %dma_start3A_153 = arith.constant 0 : i32
      %dma_start3A_154 = tpu.memref_slice %arg4[%add3A_152, %dma_start3A_153] : memref<32768x1024xf32, #tpu.memory_space<hbm>> -> memref<256x1024xf32, #tpu.memory_space<hbm>>
      tpu.enqueue_dma source(%arg8 : memref<256x1024xf32, #tpu.memory_space<vmem_shared>>) target(%dma_start3A_154 : memref<256x1024xf32, #tpu.memory_space<hbm>>) target_semaphore(%arg18 : memref<!tpu.dma_semaphore, #tpu.memory_space<semaphore_mem>>)
      %dma_wait3A_155 = arith.constant 0 : i32
      %dma_wait3A_156 = tpu.memref_slice %arg4[%add3A_140, %dma_wait3A_155] : memref<32768x1024xf32, #tpu.memory_space<hbm>> -> memref<256x1024xf32, #tpu.memory_space<hbm>>
      tpu.wait_dma2 semaphore(%arg17 : memref<!tpu.dma_semaphore, #tpu.memory_space<semaphore_mem>>) src(%arg7 : memref<256x1024xf32, #tpu.memory_space<vmem_shared>>) dst(%dma_wait3A_156 : memref<256x1024xf32, #tpu.memory_space<hbm>>)
      %add3A_157 = arith.constant 3328 : i32
      %add3A_158 = arith.addi %mul3A_0, %add3A_157 : i32
      %dma_start3A_159 = arith.constant 0 : i32
      %dma_start3A_160 = tpu.memref_slice %arg2[%add3A_158, %dma_start3A_159] : memref<32768x1024xf32, #tpu.memory_space<hbm>> -> memref<256x1024xf32, #tpu.memory_space<hbm>>
      tpu.enqueue_dma source(%dma_start3A_160 : memref<256x1024xf32, #tpu.memory_space<hbm>>) target(%arg7 : memref<256x1024xf32, #tpu.memory_space<vmem_shared>>) target_semaphore(%arg14 : memref<!tpu.dma_semaphore, #tpu.memory_space<semaphore_mem>>)
      %dma_wait3A_161 = arith.constant 0 : i32
      %dma_wait3A_162 = tpu.memref_slice %arg2[%add3A_146, %dma_wait3A_161] : memref<32768x1024xf32, #tpu.memory_space<hbm>> -> memref<256x1024xf32, #tpu.memory_space<hbm>>
      tpu.wait_dma2 semaphore(%arg13 : memref<!tpu.dma_semaphore, #tpu.memory_space<semaphore_mem>>) src(%dma_wait3A_162 : memref<256x1024xf32, #tpu.memory_space<hbm>>) dst(%arg6 : memref<256x1024xf32, #tpu.memory_space<vmem_shared>>)
      %add3A_163 = arith.constant 3072 : i32
      %add3A_164 = arith.addi %mul3A_0, %add3A_163 : i32
      %dma_start3A_165 = arith.constant 0 : i32
      %dma_start3A_166 = tpu.memref_slice %arg4[%add3A_164, %dma_start3A_165] : memref<32768x1024xf32, #tpu.memory_space<hbm>> -> memref<256x1024xf32, #tpu.memory_space<hbm>>
      tpu.enqueue_dma source(%arg6 : memref<256x1024xf32, #tpu.memory_space<vmem_shared>>) target(%dma_start3A_166 : memref<256x1024xf32, #tpu.memory_space<hbm>>) target_semaphore(%arg16 : memref<!tpu.dma_semaphore, #tpu.memory_space<semaphore_mem>>)
      %dma_wait3A_167 = arith.constant 0 : i32
      %dma_wait3A_168 = tpu.memref_slice %arg4[%add3A_152, %dma_wait3A_167] : memref<32768x1024xf32, #tpu.memory_space<hbm>> -> memref<256x1024xf32, #tpu.memory_space<hbm>>
      tpu.wait_dma2 semaphore(%arg18 : memref<!tpu.dma_semaphore, #tpu.memory_space<semaphore_mem>>) src(%arg8 : memref<256x1024xf32, #tpu.memory_space<vmem_shared>>) dst(%dma_wait3A_168 : memref<256x1024xf32, #tpu.memory_space<hbm>>)
      %add3A_169 = arith.constant 3584 : i32
      %add3A_170 = arith.addi %mul3A_0, %add3A_169 : i32
      %dma_start3A_171 = arith.constant 0 : i32
      %dma_start3A_172 = tpu.memref_slice %arg2[%add3A_170, %dma_start3A_171] : memref<32768x1024xf32, #tpu.memory_space<hbm>> -> memref<256x1024xf32, #tpu.memory_space<hbm>>
      tpu.enqueue_dma source(%dma_start3A_172 : memref<256x1024xf32, #tpu.memory_space<hbm>>) target(%arg8 : memref<256x1024xf32, #tpu.memory_space<vmem_shared>>) target_semaphore(%arg15 : memref<!tpu.dma_semaphore, #tpu.memory_space<semaphore_mem>>)
      %dma_wait3A_173 = arith.constant 0 : i32
      %dma_wait3A_174 = tpu.memref_slice %arg2[%add3A_158, %dma_wait3A_173] : memref<32768x1024xf32, #tpu.memory_space<hbm>> -> memref<256x1024xf32, #tpu.memory_space<hbm>>
      tpu.wait_dma2 semaphore(%arg14 : memref<!tpu.dma_semaphore, #tpu.memory_space<semaphore_mem>>) src(%dma_wait3A_174 : memref<256x1024xf32, #tpu.memory_space<hbm>>) dst(%arg7 : memref<256x1024xf32, #tpu.memory_space<vmem_shared>>)
      %add3A_175 = arith.constant 3328 : i32
      %add3A_176 = arith.addi %mul3A_0, %add3A_175 : i32
      %dma_start3A_177 = arith.constant 0 : i32
      %dma_start3A_178 = tpu.memref_slice %arg4[%add3A_176, %dma_start3A_177] : memref<32768x1024xf32, #tpu.memory_space<hbm>> -> memref<256x1024xf32, #tpu.memory_space<hbm>>
      tpu.enqueue_dma source(%arg7 : memref<256x1024xf32, #tpu.memory_space<vmem_shared>>) target(%dma_start3A_178 : memref<256x1024xf32, #tpu.memory_space<hbm>>) target_semaphore(%arg17 : memref<!tpu.dma_semaphore, #tpu.memory_space<semaphore_mem>>)
      %dma_wait3A_179 = arith.constant 0 : i32
      %dma_wait3A_180 = tpu.memref_slice %arg4[%add3A_164, %dma_wait3A_179] : memref<32768x1024xf32, #tpu.memory_space<hbm>> -> memref<256x1024xf32, #tpu.memory_space<hbm>>
      tpu.wait_dma2 semaphore(%arg16 : memref<!tpu.dma_semaphore, #tpu.memory_space<semaphore_mem>>) src(%arg6 : memref<256x1024xf32, #tpu.memory_space<vmem_shared>>) dst(%dma_wait3A_180 : memref<256x1024xf32, #tpu.memory_space<hbm>>)
      %add3A_181 = arith.constant 3840 : i32
      %add3A_182 = arith.addi %mul3A_0, %add3A_181 : i32
      %dma_start3A_183 = arith.constant 0 : i32
      %dma_start3A_184 = tpu.memref_slice %arg2[%add3A_182, %dma_start3A_183] : memref<32768x1024xf32, #tpu.memory_space<hbm>> -> memref<256x1024xf32, #tpu.memory_space<hbm>>
      tpu.enqueue_dma source(%dma_start3A_184 : memref<256x1024xf32, #tpu.memory_space<hbm>>) target(%arg6 : memref<256x1024xf32, #tpu.memory_space<vmem_shared>>) target_semaphore(%arg13 : memref<!tpu.dma_semaphore, #tpu.memory_space<semaphore_mem>>)
      %dma_wait3A_185 = arith.constant 0 : i32
      %dma_wait3A_186 = tpu.memref_slice %arg2[%add3A_170, %dma_wait3A_185] : memref<32768x1024xf32, #tpu.memory_space<hbm>> -> memref<256x1024xf32, #tpu.memory_space<hbm>>
      tpu.wait_dma2 semaphore(%arg15 : memref<!tpu.dma_semaphore, #tpu.memory_space<semaphore_mem>>) src(%dma_wait3A_186 : memref<256x1024xf32, #tpu.memory_space<hbm>>) dst(%arg8 : memref<256x1024xf32, #tpu.memory_space<vmem_shared>>)
      %add3A_187 = arith.constant 3584 : i32
      %add3A_188 = arith.addi %mul3A_0, %add3A_187 : i32
      %dma_start3A_189 = arith.constant 0 : i32
      %dma_start3A_190 = tpu.memref_slice %arg4[%add3A_188, %dma_start3A_189] : memref<32768x1024xf32, #tpu.memory_space<hbm>> -> memref<256x1024xf32, #tpu.memory_space<hbm>>
      tpu.enqueue_dma source(%arg8 : memref<256x1024xf32, #tpu.memory_space<vmem_shared>>) target(%dma_start3A_190 : memref<256x1024xf32, #tpu.memory_space<hbm>>) target_semaphore(%arg18 : memref<!tpu.dma_semaphore, #tpu.memory_space<semaphore_mem>>)
      %dma_wait3A_191 = arith.constant 0 : i32
      %dma_wait3A_192 = tpu.memref_slice %arg4[%add3A_176, %dma_wait3A_191] : memref<32768x1024xf32, #tpu.memory_space<hbm>> -> memref<256x1024xf32, #tpu.memory_space<hbm>>
      tpu.wait_dma2 semaphore(%arg17 : memref<!tpu.dma_semaphore, #tpu.memory_space<semaphore_mem>>) src(%arg7 : memref<256x1024xf32, #tpu.memory_space<vmem_shared>>) dst(%dma_wait3A_192 : memref<256x1024xf32, #tpu.memory_space<hbm>>)
      %add3A_193 = arith.constant 4096 : i32
      %add3A_194 = arith.addi %mul3A_0, %add3A_193 : i32
      %dma_start3A_195 = arith.constant 0 : i32
      %dma_start3A_196 = tpu.memref_slice %arg2[%add3A_194, %dma_start3A_195] : memref<32768x1024xf32, #tpu.memory_space<hbm>> -> memref<256x1024xf32, #tpu.memory_space<hbm>>
      tpu.enqueue_dma source(%dma_start3A_196 : memref<256x1024xf32, #tpu.memory_space<hbm>>) target(%arg7 : memref<256x1024xf32, #tpu.memory_space<vmem_shared>>) target_semaphore(%arg14 : memref<!tpu.dma_semaphore, #tpu.memory_space<semaphore_mem>>)
      %dma_wait3A_197 = arith.constant 0 : i32
      %dma_wait3A_198 = tpu.memref_slice %arg2[%add3A_182, %dma_wait3A_197] : memref<32768x1024xf32, #tpu.memory_space<hbm>> -> memref<256x1024xf32, #tpu.memory_space<hbm>>
      tpu.wait_dma2 semaphore(%arg13 : memref<!tpu.dma_semaphore, #tpu.memory_space<semaphore_mem>>) src(%dma_wait3A_198 : memref<256x1024xf32, #tpu.memory_space<hbm>>) dst(%arg6 : memref<256x1024xf32, #tpu.memory_space<vmem_shared>>)
      %add3A_199 = arith.constant 3840 : i32
      %add3A_200 = arith.addi %mul3A_0, %add3A_199 : i32
      %dma_start3A_201 = arith.constant 0 : i32
      %dma_start3A_202 = tpu.memref_slice %arg4[%add3A_200, %dma_start3A_201] : memref<32768x1024xf32, #tpu.memory_space<hbm>> -> memref<256x1024xf32, #tpu.memory_space<hbm>>
      tpu.enqueue_dma source(%arg6 : memref<256x1024xf32, #tpu.memory_space<vmem_shared>>) target(%dma_start3A_202 : memref<256x1024xf32, #tpu.memory_space<hbm>>) target_semaphore(%arg16 : memref<!tpu.dma_semaphore, #tpu.memory_space<semaphore_mem>>)
      %dma_wait3A_203 = arith.constant 0 : i32
      %dma_wait3A_204 = tpu.memref_slice %arg4[%add3A_188, %dma_wait3A_203] : memref<32768x1024xf32, #tpu.memory_space<hbm>> -> memref<256x1024xf32, #tpu.memory_space<hbm>>
      tpu.wait_dma2 semaphore(%arg18 : memref<!tpu.dma_semaphore, #tpu.memory_space<semaphore_mem>>) src(%arg8 : memref<256x1024xf32, #tpu.memory_space<vmem_shared>>) dst(%dma_wait3A_204 : memref<256x1024xf32, #tpu.memory_space<hbm>>)
      %add3A_205 = arith.constant 4352 : i32
      %add3A_206 = arith.addi %mul3A_0, %add3A_205 : i32
      %dma_start3A_207 = arith.constant 0 : i32
      %dma_start3A_208 = tpu.memref_slice %arg2[%add3A_206, %dma_start3A_207] : memref<32768x1024xf32, #tpu.memory_space<hbm>> -> memref<256x1024xf32, #tpu.memory_space<hbm>>
      tpu.enqueue_dma source(%dma_start3A_208 : memref<256x1024xf32, #tpu.memory_space<hbm>>) target(%arg8 : memref<256x1024xf32, #tpu.memory_space<vmem_shared>>) target_semaphore(%arg15 : memref<!tpu.dma_semaphore, #tpu.memory_space<semaphore_mem>>)
      %dma_wait3A_209 = arith.constant 0 : i32
      %dma_wait3A_210 = tpu.memref_slice %arg2[%add3A_194, %dma_wait3A_209] : memref<32768x1024xf32, #tpu.memory_space<hbm>> -> memref<256x1024xf32, #tpu.memory_space<hbm>>
      tpu.wait_dma2 semaphore(%arg14 : memref<!tpu.dma_semaphore, #tpu.memory_space<semaphore_mem>>) src(%dma_wait3A_210 : memref<256x1024xf32, #tpu.memory_space<hbm>>) dst(%arg7 : memref<256x1024xf32, #tpu.memory_space<vmem_shared>>)
      %add3A_211 = arith.constant 4096 : i32
      %add3A_212 = arith.addi %mul3A_0, %add3A_211 : i32
      %dma_start3A_213 = arith.constant 0 : i32
      %dma_start3A_214 = tpu.memref_slice %arg4[%add3A_212, %dma_start3A_213] : memref<32768x1024xf32, #tpu.memory_space<hbm>> -> memref<256x1024xf32, #tpu.memory_space<hbm>>
      tpu.enqueue_dma source(%arg7 : memref<256x1024xf32, #tpu.memory_space<vmem_shared>>) target(%dma_start3A_214 : memref<256x1024xf32, #tpu.memory_space<hbm>>) target_semaphore(%arg17 : memref<!tpu.dma_semaphore, #tpu.memory_space<semaphore_mem>>)
      %dma_wait3A_215 = arith.constant 0 : i32
      %dma_wait3A_216 = tpu.memref_slice %arg4[%add3A_200, %dma_wait3A_215] : memref<32768x1024xf32, #tpu.memory_space<hbm>> -> memref<256x1024xf32, #tpu.memory_space<hbm>>
      tpu.wait_dma2 semaphore(%arg16 : memref<!tpu.dma_semaphore, #tpu.memory_space<semaphore_mem>>) src(%arg6 : memref<256x1024xf32, #tpu.memory_space<vmem_shared>>) dst(%dma_wait3A_216 : memref<256x1024xf32, #tpu.memory_space<hbm>>)
      %add3A_217 = arith.constant 4608 : i32
      %add3A_218 = arith.addi %mul3A_0, %add3A_217 : i32
      %dma_start3A_219 = arith.constant 0 : i32
      %dma_start3A_220 = tpu.memref_slice %arg2[%add3A_218, %dma_start3A_219] : memref<32768x1024xf32, #tpu.memory_space<hbm>> -> memref<256x1024xf32, #tpu.memory_space<hbm>>
      tpu.enqueue_dma source(%dma_start3A_220 : memref<256x1024xf32, #tpu.memory_space<hbm>>) target(%arg6 : memref<256x1024xf32, #tpu.memory_space<vmem_shared>>) target_semaphore(%arg13 : memref<!tpu.dma_semaphore, #tpu.memory_space<semaphore_mem>>)
      %dma_wait3A_221 = arith.constant 0 : i32
      %dma_wait3A_222 = tpu.memref_slice %arg2[%add3A_206, %dma_wait3A_221] : memref<32768x1024xf32, #tpu.memory_space<hbm>> -> memref<256x1024xf32, #tpu.memory_space<hbm>>
      tpu.wait_dma2 semaphore(%arg15 : memref<!tpu.dma_semaphore, #tpu.memory_space<semaphore_mem>>) src(%dma_wait3A_222 : memref<256x1024xf32, #tpu.memory_space<hbm>>) dst(%arg8 : memref<256x1024xf32, #tpu.memory_space<vmem_shared>>)
      %add3A_223 = arith.constant 4352 : i32
      %add3A_224 = arith.addi %mul3A_0, %add3A_223 : i32
      %dma_start3A_225 = arith.constant 0 : i32
      %dma_start3A_226 = tpu.memref_slice %arg4[%add3A_224, %dma_start3A_225] : memref<32768x1024xf32, #tpu.memory_space<hbm>> -> memref<256x1024xf32, #tpu.memory_space<hbm>>
      tpu.enqueue_dma source(%arg8 : memref<256x1024xf32, #tpu.memory_space<vmem_shared>>) target(%dma_start3A_226 : memref<256x1024xf32, #tpu.memory_space<hbm>>) target_semaphore(%arg18 : memref<!tpu.dma_semaphore, #tpu.memory_space<semaphore_mem>>)
      %dma_wait3A_227 = arith.constant 0 : i32
      %dma_wait3A_228 = tpu.memref_slice %arg2[%add3A_218, %dma_wait3A_227] : memref<32768x1024xf32, #tpu.memory_space<hbm>> -> memref<256x1024xf32, #tpu.memory_space<hbm>>
      tpu.wait_dma2 semaphore(%arg13 : memref<!tpu.dma_semaphore, #tpu.memory_space<semaphore_mem>>) src(%dma_wait3A_228 : memref<256x1024xf32, #tpu.memory_space<hbm>>) dst(%arg6 : memref<256x1024xf32, #tpu.memory_space<vmem_shared>>)
      %add3A_229 = arith.constant 4608 : i32
      %add3A_230 = arith.addi %mul3A_0, %add3A_229 : i32
      %dma_start3A_231 = arith.constant 0 : i32
      %dma_start3A_232 = tpu.memref_slice %arg4[%add3A_230, %dma_start3A_231] : memref<32768x1024xf32, #tpu.memory_space<hbm>> -> memref<256x1024xf32, #tpu.memory_space<hbm>>
      tpu.enqueue_dma source(%arg6 : memref<256x1024xf32, #tpu.memory_space<vmem_shared>>) target(%dma_start3A_232 : memref<256x1024xf32, #tpu.memory_space<hbm>>) target_semaphore(%arg16 : memref<!tpu.dma_semaphore, #tpu.memory_space<semaphore_mem>>)
      %dma_wait3A_233 = arith.constant 0 : i32
      %dma_wait3A_234 = tpu.memref_slice %arg4[%add3A_212, %dma_wait3A_233] : memref<32768x1024xf32, #tpu.memory_space<hbm>> -> memref<256x1024xf32, #tpu.memory_space<hbm>>
      tpu.wait_dma2 semaphore(%arg17 : memref<!tpu.dma_semaphore, #tpu.memory_space<semaphore_mem>>) src(%arg7 : memref<256x1024xf32, #tpu.memory_space<vmem_shared>>) dst(%dma_wait3A_234 : memref<256x1024xf32, #tpu.memory_space<hbm>>)
      %dma_wait3A_235 = arith.constant 0 : i32
      %dma_wait3A_236 = tpu.memref_slice %arg4[%add3A_224, %dma_wait3A_235] : memref<32768x1024xf32, #tpu.memory_space<hbm>> -> memref<256x1024xf32, #tpu.memory_space<hbm>>
      tpu.wait_dma2 semaphore(%arg18 : memref<!tpu.dma_semaphore, #tpu.memory_space<semaphore_mem>>) src(%arg8 : memref<256x1024xf32, #tpu.memory_space<vmem_shared>>) dst(%dma_wait3A_236 : memref<256x1024xf32, #tpu.memory_space<hbm>>)
      %dma_wait3A_237 = arith.constant 0 : i32
      %dma_wait3A_238 = tpu.memref_slice %arg4[%add3A_230, %dma_wait3A_237] : memref<32768x1024xf32, #tpu.memory_space<hbm>> -> memref<256x1024xf32, #tpu.memory_space<hbm>>
      tpu.wait_dma2 semaphore(%arg16 : memref<!tpu.dma_semaphore, #tpu.memory_space<semaphore_mem>>) src(%arg6 : memref<256x1024xf32, #tpu.memory_space<vmem_shared>>) dst(%dma_wait3A_238 : memref<256x1024xf32, #tpu.memory_space<hbm>>)
    } else {
    }
    %gt3A = arith.constant 0 : i32
    %gt3A_3 = arith.cmpi sgt, %arg1, %gt3A : i32
    %convert_element_type3A_4 = arith.extui %gt3A_3 : i1 to i32
    %cond3A_5 = arith.constant 0 : i32
    %cond3A_6 = arith.cmpi ne, %convert_element_type3A_4, %cond3A_5 : i32
    scf.if %cond3A_6 {
      %add3A = arith.constant 4864 : i32
      %add3A_14 = arith.addi %mul3A_0, %add3A : i32
      %sub3A = arith.constant 1 : i32
      %sub3A_15 = arith.subi %arg1, %sub3A : i32
      %mul3A_16 = arith.constant 24 : i32
      %mul3A_17 = arith.muli %sub3A_15, %mul3A_16 : i32
      %mul3A_18 = arith.constant 32 : i32
      %mul3A_19 = arith.muli %mul3A_17, %mul3A_18 : i32
      %add3A_20 = arith.addi %add3A_14, %mul3A_19 : i32
      %add3A_21 = arith.constant 0 : i32
      %add3A_22 = arith.addi %add3A_20, %add3A_21 : i32
      %dma_start3A = arith.constant 0 : i32
      %dma_start3A_23 = tpu.memref_slice %arg2[%add3A_22, %dma_start3A] : memref<32768x1024xf32, #tpu.memory_space<hbm>> -> memref<24x1024xf32, #tpu.memory_space<hbm>>
      %dma_start3A_24 = arith.constant 0 : i32
      %dma_start3A_25 = tpu.memref_slice %arg2[%add3A_22, %dma_start3A_24] : memref<32768x1024xf32, #tpu.memory_space<hbm>> -> memref<24x1024xf32, #tpu.memory_space<hbm>>
      tpu.enqueue_dma source(%dma_start3A_25 : memref<24x1024xf32, #tpu.memory_space<hbm>>) target(%arg9 : memref<24x1024xf32, #tpu.memory_space<vmem>>) target_semaphore(%arg19 : memref<!tpu.dma_semaphore, #tpu.memory_space<semaphore_mem>>)
      %add3A_26 = arith.constant 24 : i32
      %add3A_27 = arith.addi %add3A_20, %add3A_26 : i32
      %dma_start3A_28 = arith.constant 0 : i32
      %dma_start3A_29 = tpu.memref_slice %arg2[%add3A_27, %dma_start3A_28] : memref<32768x1024xf32, #tpu.memory_space<hbm>> -> memref<24x1024xf32, #tpu.memory_space<hbm>>
      %dma_start3A_30 = arith.constant 0 : i32
      %dma_start3A_31 = tpu.memref_slice %arg2[%add3A_27, %dma_start3A_30] : memref<32768x1024xf32, #tpu.memory_space<hbm>> -> memref<24x1024xf32, #tpu.memory_space<hbm>>
      tpu.enqueue_dma source(%dma_start3A_31 : memref<24x1024xf32, #tpu.memory_space<hbm>>) target(%arg10 : memref<24x1024xf32, #tpu.memory_space<vmem>>) target_semaphore(%arg20 : memref<!tpu.dma_semaphore, #tpu.memory_space<semaphore_mem>>)
      %dma_wait3A = arith.constant 0 : i32
      %dma_wait3A_32 = tpu.memref_slice %arg2[%add3A_22, %dma_wait3A] : memref<32768x1024xf32, #tpu.memory_space<hbm>> -> memref<24x1024xf32, #tpu.memory_space<hbm>>
      %dma_wait3A_33 = arith.constant 0 : i32
      %dma_wait3A_34 = tpu.memref_slice %arg2[%add3A_22, %dma_wait3A_33] : memref<32768x1024xf32, #tpu.memory_space<hbm>> -> memref<24x1024xf32, #tpu.memory_space<hbm>>
      tpu.wait_dma2 semaphore(%arg19 : memref<!tpu.dma_semaphore, #tpu.memory_space<semaphore_mem>>) src(%dma_wait3A_34 : memref<24x1024xf32, #tpu.memory_space<hbm>>) dst(%arg9 : memref<24x1024xf32, #tpu.memory_space<vmem>>)
      %add3A_35 = arith.constant 0 : i32
      %add3A_36 = arith.addi %add3A_20, %add3A_35 : i32
      %dma_start3A_37 = arith.constant 0 : i32
      %dma_start3A_38 = tpu.memref_slice %arg4[%add3A_36, %dma_start3A_37] : memref<32768x1024xf32, #tpu.memory_space<hbm>> -> memref<24x1024xf32, #tpu.memory_space<hbm>>
      %dma_start3A_39 = arith.constant 0 : i32
      %dma_start3A_40 = tpu.memref_slice %arg4[%add3A_36, %dma_start3A_39] : memref<32768x1024xf32, #tpu.memory_space<hbm>> -> memref<24x1024xf32, #tpu.memory_space<hbm>>
      tpu.enqueue_dma source(%arg9 : memref<24x1024xf32, #tpu.memory_space<vmem>>) target(%dma_start3A_40 : memref<24x1024xf32, #tpu.memory_space<hbm>>) target_semaphore(%arg22 : memref<!tpu.dma_semaphore, #tpu.memory_space<semaphore_mem>>)
      %add3A_41 = arith.constant 48 : i32
      %add3A_42 = arith.addi %add3A_20, %add3A_41 : i32
      %dma_start3A_43 = arith.constant 0 : i32
      %dma_start3A_44 = tpu.memref_slice %arg2[%add3A_42, %dma_start3A_43] : memref<32768x1024xf32, #tpu.memory_space<hbm>> -> memref<24x1024xf32, #tpu.memory_space<hbm>>
      %dma_start3A_45 = arith.constant 0 : i32
      %dma_start3A_46 = tpu.memref_slice %arg2[%add3A_42, %dma_start3A_45] : memref<32768x1024xf32, #tpu.memory_space<hbm>> -> memref<24x1024xf32, #tpu.memory_space<hbm>>
      tpu.enqueue_dma source(%dma_start3A_46 : memref<24x1024xf32, #tpu.memory_space<hbm>>) target(%arg11 : memref<24x1024xf32, #tpu.memory_space<vmem>>) target_semaphore(%arg21 : memref<!tpu.dma_semaphore, #tpu.memory_space<semaphore_mem>>)
      %dma_wait3A_47 = arith.constant 0 : i32
      %dma_wait3A_48 = tpu.memref_slice %arg2[%add3A_27, %dma_wait3A_47] : memref<32768x1024xf32, #tpu.memory_space<hbm>> -> memref<24x1024xf32, #tpu.memory_space<hbm>>
      %dma_wait3A_49 = arith.constant 0 : i32
      %dma_wait3A_50 = tpu.memref_slice %arg2[%add3A_27, %dma_wait3A_49] : memref<32768x1024xf32, #tpu.memory_space<hbm>> -> memref<24x1024xf32, #tpu.memory_space<hbm>>
      tpu.wait_dma2 semaphore(%arg20 : memref<!tpu.dma_semaphore, #tpu.memory_space<semaphore_mem>>) src(%dma_wait3A_50 : memref<24x1024xf32, #tpu.memory_space<hbm>>) dst(%arg10 : memref<24x1024xf32, #tpu.memory_space<vmem>>)
      %add3A_51 = arith.constant 24 : i32
      %add3A_52 = arith.addi %add3A_20, %add3A_51 : i32
      %dma_start3A_53 = arith.constant 0 : i32
      %dma_start3A_54 = tpu.memref_slice %arg4[%add3A_52, %dma_start3A_53] : memref<32768x1024xf32, #tpu.memory_space<hbm>> -> memref<24x1024xf32, #tpu.memory_space<hbm>>
      %dma_start3A_55 = arith.constant 0 : i32
      %dma_start3A_56 = tpu.memref_slice %arg4[%add3A_52, %dma_start3A_55] : memref<32768x1024xf32, #tpu.memory_space<hbm>> -> memref<24x1024xf32, #tpu.memory_space<hbm>>
      tpu.enqueue_dma source(%arg10 : memref<24x1024xf32, #tpu.memory_space<vmem>>) target(%dma_start3A_56 : memref<24x1024xf32, #tpu.memory_space<hbm>>) target_semaphore(%arg23 : memref<!tpu.dma_semaphore, #tpu.memory_space<semaphore_mem>>)
      %dma_wait3A_57 = arith.constant 0 : i32
      %dma_wait3A_58 = tpu.memref_slice %arg4[%add3A_36, %dma_wait3A_57] : memref<32768x1024xf32, #tpu.memory_space<hbm>> -> memref<24x1024xf32, #tpu.memory_space<hbm>>
      %dma_wait3A_59 = arith.constant 0 : i32
      %dma_wait3A_60 = tpu.memref_slice %arg4[%add3A_36, %dma_wait3A_59] : memref<32768x1024xf32, #tpu.memory_space<hbm>> -> memref<24x1024xf32, #tpu.memory_space<hbm>>
      tpu.wait_dma2 semaphore(%arg22 : memref<!tpu.dma_semaphore, #tpu.memory_space<semaphore_mem>>) src(%arg9 : memref<24x1024xf32, #tpu.memory_space<vmem>>) dst(%dma_wait3A_60 : memref<24x1024xf32, #tpu.memory_space<hbm>>)
      %add3A_61 = arith.constant 72 : i32
      %add3A_62 = arith.addi %add3A_20, %add3A_61 : i32
      %dma_start3A_63 = arith.constant 0 : i32
      %dma_start3A_64 = tpu.memref_slice %arg2[%add3A_62, %dma_start3A_63] : memref<32768x1024xf32, #tpu.memory_space<hbm>> -> memref<24x1024xf32, #tpu.memory_space<hbm>>
      %dma_start3A_65 = arith.constant 0 : i32
      %dma_start3A_66 = tpu.memref_slice %arg2[%add3A_62, %dma_start3A_65] : memref<32768x1024xf32, #tpu.memory_space<hbm>> -> memref<24x1024xf32, #tpu.memory_space<hbm>>
      tpu.enqueue_dma source(%dma_start3A_66 : memref<24x1024xf32, #tpu.memory_space<hbm>>) target(%arg9 : memref<24x1024xf32, #tpu.memory_space<vmem>>) target_semaphore(%arg19 : memref<!tpu.dma_semaphore, #tpu.memory_space<semaphore_mem>>)
      %dma_wait3A_67 = arith.constant 0 : i32
      %dma_wait3A_68 = tpu.memref_slice %arg2[%add3A_42, %dma_wait3A_67] : memref<32768x1024xf32, #tpu.memory_space<hbm>> -> memref<24x1024xf32, #tpu.memory_space<hbm>>
      %dma_wait3A_69 = arith.constant 0 : i32
      %dma_wait3A_70 = tpu.memref_slice %arg2[%add3A_42, %dma_wait3A_69] : memref<32768x1024xf32, #tpu.memory_space<hbm>> -> memref<24x1024xf32, #tpu.memory_space<hbm>>
      tpu.wait_dma2 semaphore(%arg21 : memref<!tpu.dma_semaphore, #tpu.memory_space<semaphore_mem>>) src(%dma_wait3A_70 : memref<24x1024xf32, #tpu.memory_space<hbm>>) dst(%arg11 : memref<24x1024xf32, #tpu.memory_space<vmem>>)
      %add3A_71 = arith.constant 48 : i32
      %add3A_72 = arith.addi %add3A_20, %add3A_71 : i32
      %dma_start3A_73 = arith.constant 0 : i32
      %dma_start3A_74 = tpu.memref_slice %arg4[%add3A_72, %dma_start3A_73] : memref<32768x1024xf32, #tpu.memory_space<hbm>> -> memref<24x1024xf32, #tpu.memory_space<hbm>>
      %dma_start3A_75 = arith.constant 0 : i32
      %dma_start3A_76 = tpu.memref_slice %arg4[%add3A_72, %dma_start3A_75] : memref<32768x1024xf32, #tpu.memory_space<hbm>> -> memref<24x1024xf32, #tpu.memory_space<hbm>>
      tpu.enqueue_dma source(%arg11 : memref<24x1024xf32, #tpu.memory_space<vmem>>) target(%dma_start3A_76 : memref<24x1024xf32, #tpu.memory_space<hbm>>) target_semaphore(%arg24 : memref<!tpu.dma_semaphore, #tpu.memory_space<semaphore_mem>>)
      %dma_wait3A_77 = arith.constant 0 : i32
      %dma_wait3A_78 = tpu.memref_slice %arg4[%add3A_52, %dma_wait3A_77] : memref<32768x1024xf32, #tpu.memory_space<hbm>> -> memref<24x1024xf32, #tpu.memory_space<hbm>>
      %dma_wait3A_79 = arith.constant 0 : i32
      %dma_wait3A_80 = tpu.memref_slice %arg4[%add3A_52, %dma_wait3A_79] : memref<32768x1024xf32, #tpu.memory_space<hbm>> -> memref<24x1024xf32, #tpu.memory_space<hbm>>
      tpu.wait_dma2 semaphore(%arg23 : memref<!tpu.dma_semaphore, #tpu.memory_space<semaphore_mem>>) src(%arg10 : memref<24x1024xf32, #tpu.memory_space<vmem>>) dst(%dma_wait3A_80 : memref<24x1024xf32, #tpu.memory_space<hbm>>)
      %add3A_81 = arith.constant 96 : i32
      %add3A_82 = arith.addi %add3A_20, %add3A_81 : i32
      %dma_start3A_83 = arith.constant 0 : i32
      %dma_start3A_84 = tpu.memref_slice %arg2[%add3A_82, %dma_start3A_83] : memref<32768x1024xf32, #tpu.memory_space<hbm>> -> memref<24x1024xf32, #tpu.memory_space<hbm>>
      %dma_start3A_85 = arith.constant 0 : i32
      %dma_start3A_86 = tpu.memref_slice %arg2[%add3A_82, %dma_start3A_85] : memref<32768x1024xf32, #tpu.memory_space<hbm>> -> memref<24x1024xf32, #tpu.memory_space<hbm>>
      tpu.enqueue_dma source(%dma_start3A_86 : memref<24x1024xf32, #tpu.memory_space<hbm>>) target(%arg10 : memref<24x1024xf32, #tpu.memory_space<vmem>>) target_semaphore(%arg20 : memref<!tpu.dma_semaphore, #tpu.memory_space<semaphore_mem>>)
      %dma_wait3A_87 = arith.constant 0 : i32
      %dma_wait3A_88 = tpu.memref_slice %arg2[%add3A_62, %dma_wait3A_87] : memref<32768x1024xf32, #tpu.memory_space<hbm>> -> memref<24x1024xf32, #tpu.memory_space<hbm>>
      %dma_wait3A_89 = arith.constant 0 : i32
      %dma_wait3A_90 = tpu.memref_slice %arg2[%add3A_62, %dma_wait3A_89] : memref<32768x1024xf32, #tpu.memory_space<hbm>> -> memref<24x1024xf32, #tpu.memory_space<hbm>>
      tpu.wait_dma2 semaphore(%arg19 : memref<!tpu.dma_semaphore, #tpu.memory_space<semaphore_mem>>) src(%dma_wait3A_90 : memref<24x1024xf32, #tpu.memory_space<hbm>>) dst(%arg9 : memref<24x1024xf32, #tpu.memory_space<vmem>>)
      %add3A_91 = arith.constant 72 : i32
      %add3A_92 = arith.addi %add3A_20, %add3A_91 : i32
      %dma_start3A_93 = arith.constant 0 : i32
      %dma_start3A_94 = tpu.memref_slice %arg4[%add3A_92, %dma_start3A_93] : memref<32768x1024xf32, #tpu.memory_space<hbm>> -> memref<24x1024xf32, #tpu.memory_space<hbm>>
      %dma_start3A_95 = arith.constant 0 : i32
      %dma_start3A_96 = tpu.memref_slice %arg4[%add3A_92, %dma_start3A_95] : memref<32768x1024xf32, #tpu.memory_space<hbm>> -> memref<24x1024xf32, #tpu.memory_space<hbm>>
      tpu.enqueue_dma source(%arg9 : memref<24x1024xf32, #tpu.memory_space<vmem>>) target(%dma_start3A_96 : memref<24x1024xf32, #tpu.memory_space<hbm>>) target_semaphore(%arg22 : memref<!tpu.dma_semaphore, #tpu.memory_space<semaphore_mem>>)
      %dma_wait3A_97 = arith.constant 0 : i32
      %dma_wait3A_98 = tpu.memref_slice %arg4[%add3A_72, %dma_wait3A_97] : memref<32768x1024xf32, #tpu.memory_space<hbm>> -> memref<24x1024xf32, #tpu.memory_space<hbm>>
      %dma_wait3A_99 = arith.constant 0 : i32
      %dma_wait3A_100 = tpu.memref_slice %arg4[%add3A_72, %dma_wait3A_99] : memref<32768x1024xf32, #tpu.memory_space<hbm>> -> memref<24x1024xf32, #tpu.memory_space<hbm>>
      tpu.wait_dma2 semaphore(%arg24 : memref<!tpu.dma_semaphore, #tpu.memory_space<semaphore_mem>>) src(%arg11 : memref<24x1024xf32, #tpu.memory_space<vmem>>) dst(%dma_wait3A_100 : memref<24x1024xf32, #tpu.memory_space<hbm>>)
      %add3A_101 = arith.constant 120 : i32
      %add3A_102 = arith.addi %add3A_20, %add3A_101 : i32
      %dma_start3A_103 = arith.constant 0 : i32
      %dma_start3A_104 = tpu.memref_slice %arg2[%add3A_102, %dma_start3A_103] : memref<32768x1024xf32, #tpu.memory_space<hbm>> -> memref<24x1024xf32, #tpu.memory_space<hbm>>
      %dma_start3A_105 = arith.constant 0 : i32
      %dma_start3A_106 = tpu.memref_slice %arg2[%add3A_102, %dma_start3A_105] : memref<32768x1024xf32, #tpu.memory_space<hbm>> -> memref<24x1024xf32, #tpu.memory_space<hbm>>
      tpu.enqueue_dma source(%dma_start3A_106 : memref<24x1024xf32, #tpu.memory_space<hbm>>) target(%arg11 : memref<24x1024xf32, #tpu.memory_space<vmem>>) target_semaphore(%arg21 : memref<!tpu.dma_semaphore, #tpu.memory_space<semaphore_mem>>)
      %dma_wait3A_107 = arith.constant 0 : i32
      %dma_wait3A_108 = tpu.memref_slice %arg2[%add3A_82, %dma_wait3A_107] : memref<32768x1024xf32, #tpu.memory_space<hbm>> -> memref<24x1024xf32, #tpu.memory_space<hbm>>
      %dma_wait3A_109 = arith.constant 0 : i32
      %dma_wait3A_110 = tpu.memref_slice %arg2[%add3A_82, %dma_wait3A_109] : memref<32768x1024xf32, #tpu.memory_space<hbm>> -> memref<24x1024xf32, #tpu.memory_space<hbm>>
      tpu.wait_dma2 semaphore(%arg20 : memref<!tpu.dma_semaphore, #tpu.memory_space<semaphore_mem>>) src(%dma_wait3A_110 : memref<24x1024xf32, #tpu.memory_space<hbm>>) dst(%arg10 : memref<24x1024xf32, #tpu.memory_space<vmem>>)
      %add3A_111 = arith.constant 96 : i32
      %add3A_112 = arith.addi %add3A_20, %add3A_111 : i32
      %dma_start3A_113 = arith.constant 0 : i32
      %dma_start3A_114 = tpu.memref_slice %arg4[%add3A_112, %dma_start3A_113] : memref<32768x1024xf32, #tpu.memory_space<hbm>> -> memref<24x1024xf32, #tpu.memory_space<hbm>>
      %dma_start3A_115 = arith.constant 0 : i32
      %dma_start3A_116 = tpu.memref_slice %arg4[%add3A_112, %dma_start3A_115] : memref<32768x1024xf32, #tpu.memory_space<hbm>> -> memref<24x1024xf32, #tpu.memory_space<hbm>>
      tpu.enqueue_dma source(%arg10 : memref<24x1024xf32, #tpu.memory_space<vmem>>) target(%dma_start3A_116 : memref<24x1024xf32, #tpu.memory_space<hbm>>) target_semaphore(%arg23 : memref<!tpu.dma_semaphore, #tpu.memory_space<semaphore_mem>>)
      %dma_wait3A_117 = arith.constant 0 : i32
      %dma_wait3A_118 = tpu.memref_slice %arg4[%add3A_92, %dma_wait3A_117] : memref<32768x1024xf32, #tpu.memory_space<hbm>> -> memref<24x1024xf32, #tpu.memory_space<hbm>>
      %dma_wait3A_119 = arith.constant 0 : i32
      %dma_wait3A_120 = tpu.memref_slice %arg4[%add3A_92, %dma_wait3A_119] : memref<32768x1024xf32, #tpu.memory_space<hbm>> -> memref<24x1024xf32, #tpu.memory_space<hbm>>
      tpu.wait_dma2 semaphore(%arg22 : memref<!tpu.dma_semaphore, #tpu.memory_space<semaphore_mem>>) src(%arg9 : memref<24x1024xf32, #tpu.memory_space<vmem>>) dst(%dma_wait3A_120 : memref<24x1024xf32, #tpu.memory_space<hbm>>)
      %add3A_121 = arith.constant 144 : i32
      %add3A_122 = arith.addi %add3A_20, %add3A_121 : i32
      %dma_start3A_123 = arith.constant 0 : i32
      %dma_start3A_124 = tpu.memref_slice %arg2[%add3A_122, %dma_start3A_123] : memref<32768x1024xf32, #tpu.memory_space<hbm>> -> memref<24x1024xf32, #tpu.memory_space<hbm>>
      %dma_start3A_125 = arith.constant 0 : i32
      %dma_start3A_126 = tpu.memref_slice %arg2[%add3A_122, %dma_start3A_125] : memref<32768x1024xf32, #tpu.memory_space<hbm>> -> memref<24x1024xf32, #tpu.memory_space<hbm>>
      tpu.enqueue_dma source(%dma_start3A_126 : memref<24x1024xf32, #tpu.memory_space<hbm>>) target(%arg9 : memref<24x1024xf32, #tpu.memory_space<vmem>>) target_semaphore(%arg19 : memref<!tpu.dma_semaphore, #tpu.memory_space<semaphore_mem>>)
      %dma_wait3A_127 = arith.constant 0 : i32
      %dma_wait3A_128 = tpu.memref_slice %arg2[%add3A_102, %dma_wait3A_127] : memref<32768x1024xf32, #tpu.memory_space<hbm>> -> memref<24x1024xf32, #tpu.memory_space<hbm>>
      %dma_wait3A_129 = arith.constant 0 : i32
      %dma_wait3A_130 = tpu.memref_slice %arg2[%add3A_102, %dma_wait3A_129] : memref<32768x1024xf32, #tpu.memory_space<hbm>> -> memref<24x1024xf32, #tpu.memory_space<hbm>>
      tpu.wait_dma2 semaphore(%arg21 : memref<!tpu.dma_semaphore, #tpu.memory_space<semaphore_mem>>) src(%dma_wait3A_130 : memref<24x1024xf32, #tpu.memory_space<hbm>>) dst(%arg11 : memref<24x1024xf32, #tpu.memory_space<vmem>>)
      %add3A_131 = arith.constant 120 : i32
      %add3A_132 = arith.addi %add3A_20, %add3A_131 : i32
      %dma_start3A_133 = arith.constant 0 : i32
      %dma_start3A_134 = tpu.memref_slice %arg4[%add3A_132, %dma_start3A_133] : memref<32768x1024xf32, #tpu.memory_space<hbm>> -> memref<24x1024xf32, #tpu.memory_space<hbm>>
      %dma_start3A_135 = arith.constant 0 : i32
      %dma_start3A_136 = tpu.memref_slice %arg4[%add3A_132, %dma_start3A_135] : memref<32768x1024xf32, #tpu.memory_space<hbm>> -> memref<24x1024xf32, #tpu.memory_space<hbm>>
      tpu.enqueue_dma source(%arg11 : memref<24x1024xf32, #tpu.memory_space<vmem>>) target(%dma_start3A_136 : memref<24x1024xf32, #tpu.memory_space<hbm>>) target_semaphore(%arg24 : memref<!tpu.dma_semaphore, #tpu.memory_space<semaphore_mem>>)
      %dma_wait3A_137 = arith.constant 0 : i32
      %dma_wait3A_138 = tpu.memref_slice %arg4[%add3A_112, %dma_wait3A_137] : memref<32768x1024xf32, #tpu.memory_space<hbm>> -> memref<24x1024xf32, #tpu.memory_space<hbm>>
      %dma_wait3A_139 = arith.constant 0 : i32
      %dma_wait3A_140 = tpu.memref_slice %arg4[%add3A_112, %dma_wait3A_139] : memref<32768x1024xf32, #tpu.memory_space<hbm>> -> memref<24x1024xf32, #tpu.memory_space<hbm>>
      tpu.wait_dma2 semaphore(%arg23 : memref<!tpu.dma_semaphore, #tpu.memory_space<semaphore_mem>>) src(%arg10 : memref<24x1024xf32, #tpu.memory_space<vmem>>) dst(%dma_wait3A_140 : memref<24x1024xf32, #tpu.memory_space<hbm>>)
      %add3A_141 = arith.constant 168 : i32
      %add3A_142 = arith.addi %add3A_20, %add3A_141 : i32
      %dma_start3A_143 = arith.constant 0 : i32
      %dma_start3A_144 = tpu.memref_slice %arg2[%add3A_142, %dma_start3A_143] : memref<32768x1024xf32, #tpu.memory_space<hbm>> -> memref<24x1024xf32, #tpu.memory_space<hbm>>
      %dma_start3A_145 = arith.constant 0 : i32
      %dma_start3A_146 = tpu.memref_slice %arg2[%add3A_142, %dma_start3A_145] : memref<32768x1024xf32, #tpu.memory_space<hbm>> -> memref<24x1024xf32, #tpu.memory_space<hbm>>
      tpu.enqueue_dma source(%dma_start3A_146 : memref<24x1024xf32, #tpu.memory_space<hbm>>) target(%arg10 : memref<24x1024xf32, #tpu.memory_space<vmem>>) target_semaphore(%arg20 : memref<!tpu.dma_semaphore, #tpu.memory_space<semaphore_mem>>)
      %dma_wait3A_147 = arith.constant 0 : i32
      %dma_wait3A_148 = tpu.memref_slice %arg2[%add3A_122, %dma_wait3A_147] : memref<32768x1024xf32, #tpu.memory_space<hbm>> -> memref<24x1024xf32, #tpu.memory_space<hbm>>
      %dma_wait3A_149 = arith.constant 0 : i32
      %dma_wait3A_150 = tpu.memref_slice %arg2[%add3A_122, %dma_wait3A_149] : memref<32768x1024xf32, #tpu.memory_space<hbm>> -> memref<24x1024xf32, #tpu.memory_space<hbm>>
      tpu.wait_dma2 semaphore(%arg19 : memref<!tpu.dma_semaphore, #tpu.memory_space<semaphore_mem>>) src(%dma_wait3A_150 : memref<24x1024xf32, #tpu.memory_space<hbm>>) dst(%arg9 : memref<24x1024xf32, #tpu.memory_space<vmem>>)
      %add3A_151 = arith.constant 144 : i32
      %add3A_152 = arith.addi %add3A_20, %add3A_151 : i32
      %dma_start3A_153 = arith.constant 0 : i32
      %dma_start3A_154 = tpu.memref_slice %arg4[%add3A_152, %dma_start3A_153] : memref<32768x1024xf32, #tpu.memory_space<hbm>> -> memref<24x1024xf32, #tpu.memory_space<hbm>>
      %dma_start3A_155 = arith.constant 0 : i32
      %dma_start3A_156 = tpu.memref_slice %arg4[%add3A_152, %dma_start3A_155] : memref<32768x1024xf32, #tpu.memory_space<hbm>> -> memref<24x1024xf32, #tpu.memory_space<hbm>>
      tpu.enqueue_dma source(%arg9 : memref<24x1024xf32, #tpu.memory_space<vmem>>) target(%dma_start3A_156 : memref<24x1024xf32, #tpu.memory_space<hbm>>) target_semaphore(%arg22 : memref<!tpu.dma_semaphore, #tpu.memory_space<semaphore_mem>>)
      %dma_wait3A_157 = arith.constant 0 : i32
      %dma_wait3A_158 = tpu.memref_slice %arg4[%add3A_132, %dma_wait3A_157] : memref<32768x1024xf32, #tpu.memory_space<hbm>> -> memref<24x1024xf32, #tpu.memory_space<hbm>>
      %dma_wait3A_159 = arith.constant 0 : i32
      %dma_wait3A_160 = tpu.memref_slice %arg4[%add3A_132, %dma_wait3A_159] : memref<32768x1024xf32, #tpu.memory_space<hbm>> -> memref<24x1024xf32, #tpu.memory_space<hbm>>
      tpu.wait_dma2 semaphore(%arg24 : memref<!tpu.dma_semaphore, #tpu.memory_space<semaphore_mem>>) src(%arg11 : memref<24x1024xf32, #tpu.memory_space<vmem>>) dst(%dma_wait3A_160 : memref<24x1024xf32, #tpu.memory_space<hbm>>)
      %add3A_161 = arith.constant 192 : i32
      %add3A_162 = arith.addi %add3A_20, %add3A_161 : i32
      %dma_start3A_163 = arith.constant 0 : i32
      %dma_start3A_164 = tpu.memref_slice %arg2[%add3A_162, %dma_start3A_163] : memref<32768x1024xf32, #tpu.memory_space<hbm>> -> memref<24x1024xf32, #tpu.memory_space<hbm>>
      %dma_start3A_165 = arith.constant 0 : i32
      %dma_start3A_166 = tpu.memref_slice %arg2[%add3A_162, %dma_start3A_165] : memref<32768x1024xf32, #tpu.memory_space<hbm>> -> memref<24x1024xf32, #tpu.memory_space<hbm>>
      tpu.enqueue_dma source(%dma_start3A_166 : memref<24x1024xf32, #tpu.memory_space<hbm>>) target(%arg11 : memref<24x1024xf32, #tpu.memory_space<vmem>>) target_semaphore(%arg21 : memref<!tpu.dma_semaphore, #tpu.memory_space<semaphore_mem>>)
      %dma_wait3A_167 = arith.constant 0 : i32
      %dma_wait3A_168 = tpu.memref_slice %arg2[%add3A_142, %dma_wait3A_167] : memref<32768x1024xf32, #tpu.memory_space<hbm>> -> memref<24x1024xf32, #tpu.memory_space<hbm>>
      %dma_wait3A_169 = arith.constant 0 : i32
      %dma_wait3A_170 = tpu.memref_slice %arg2[%add3A_142, %dma_wait3A_169] : memref<32768x1024xf32, #tpu.memory_space<hbm>> -> memref<24x1024xf32, #tpu.memory_space<hbm>>
      tpu.wait_dma2 semaphore(%arg20 : memref<!tpu.dma_semaphore, #tpu.memory_space<semaphore_mem>>) src(%dma_wait3A_170 : memref<24x1024xf32, #tpu.memory_space<hbm>>) dst(%arg10 : memref<24x1024xf32, #tpu.memory_space<vmem>>)
      %add3A_171 = arith.constant 168 : i32
      %add3A_172 = arith.addi %add3A_20, %add3A_171 : i32
      %dma_start3A_173 = arith.constant 0 : i32
      %dma_start3A_174 = tpu.memref_slice %arg4[%add3A_172, %dma_start3A_173] : memref<32768x1024xf32, #tpu.memory_space<hbm>> -> memref<24x1024xf32, #tpu.memory_space<hbm>>
      %dma_start3A_175 = arith.constant 0 : i32
      %dma_start3A_176 = tpu.memref_slice %arg4[%add3A_172, %dma_start3A_175] : memref<32768x1024xf32, #tpu.memory_space<hbm>> -> memref<24x1024xf32, #tpu.memory_space<hbm>>
      tpu.enqueue_dma source(%arg10 : memref<24x1024xf32, #tpu.memory_space<vmem>>) target(%dma_start3A_176 : memref<24x1024xf32, #tpu.memory_space<hbm>>) target_semaphore(%arg23 : memref<!tpu.dma_semaphore, #tpu.memory_space<semaphore_mem>>)
      %dma_wait3A_177 = arith.constant 0 : i32
      %dma_wait3A_178 = tpu.memref_slice %arg4[%add3A_152, %dma_wait3A_177] : memref<32768x1024xf32, #tpu.memory_space<hbm>> -> memref<24x1024xf32, #tpu.memory_space<hbm>>
      %dma_wait3A_179 = arith.constant 0 : i32
      %dma_wait3A_180 = tpu.memref_slice %arg4[%add3A_152, %dma_wait3A_179] : memref<32768x1024xf32, #tpu.memory_space<hbm>> -> memref<24x1024xf32, #tpu.memory_space<hbm>>
      tpu.wait_dma2 semaphore(%arg22 : memref<!tpu.dma_semaphore, #tpu.memory_space<semaphore_mem>>) src(%arg9 : memref<24x1024xf32, #tpu.memory_space<vmem>>) dst(%dma_wait3A_180 : memref<24x1024xf32, #tpu.memory_space<hbm>>)
      %add3A_181 = arith.constant 216 : i32
      %add3A_182 = arith.addi %add3A_20, %add3A_181 : i32
      %dma_start3A_183 = arith.constant 0 : i32
      %dma_start3A_184 = tpu.memref_slice %arg2[%add3A_182, %dma_start3A_183] : memref<32768x1024xf32, #tpu.memory_space<hbm>> -> memref<24x1024xf32, #tpu.memory_space<hbm>>
      %dma_start3A_185 = arith.constant 0 : i32
      %dma_start3A_186 = tpu.memref_slice %arg2[%add3A_182, %dma_start3A_185] : memref<32768x1024xf32, #tpu.memory_space<hbm>> -> memref<24x1024xf32, #tpu.memory_space<hbm>>
      tpu.enqueue_dma source(%dma_start3A_186 : memref<24x1024xf32, #tpu.memory_space<hbm>>) target(%arg9 : memref<24x1024xf32, #tpu.memory_space<vmem>>) target_semaphore(%arg19 : memref<!tpu.dma_semaphore, #tpu.memory_space<semaphore_mem>>)
      %dma_wait3A_187 = arith.constant 0 : i32
      %dma_wait3A_188 = tpu.memref_slice %arg2[%add3A_162, %dma_wait3A_187] : memref<32768x1024xf32, #tpu.memory_space<hbm>> -> memref<24x1024xf32, #tpu.memory_space<hbm>>
      %dma_wait3A_189 = arith.constant 0 : i32
      %dma_wait3A_190 = tpu.memref_slice %arg2[%add3A_162, %dma_wait3A_189] : memref<32768x1024xf32, #tpu.memory_space<hbm>> -> memref<24x1024xf32, #tpu.memory_space<hbm>>
      tpu.wait_dma2 semaphore(%arg21 : memref<!tpu.dma_semaphore, #tpu.memory_space<semaphore_mem>>) src(%dma_wait3A_190 : memref<24x1024xf32, #tpu.memory_space<hbm>>) dst(%arg11 : memref<24x1024xf32, #tpu.memory_space<vmem>>)
      %add3A_191 = arith.constant 192 : i32
      %add3A_192 = arith.addi %add3A_20, %add3A_191 : i32
      %dma_start3A_193 = arith.constant 0 : i32
      %dma_start3A_194 = tpu.memref_slice %arg4[%add3A_192, %dma_start3A_193] : memref<32768x1024xf32, #tpu.memory_space<hbm>> -> memref<24x1024xf32, #tpu.memory_space<hbm>>
      %dma_start3A_195 = arith.constant 0 : i32
      %dma_start3A_196 = tpu.memref_slice %arg4[%add3A_192, %dma_start3A_195] : memref<32768x1024xf32, #tpu.memory_space<hbm>> -> memref<24x1024xf32, #tpu.memory_space<hbm>>
      tpu.enqueue_dma source(%arg11 : memref<24x1024xf32, #tpu.memory_space<vmem>>) target(%dma_start3A_196 : memref<24x1024xf32, #tpu.memory_space<hbm>>) target_semaphore(%arg24 : memref<!tpu.dma_semaphore, #tpu.memory_space<semaphore_mem>>)
      %dma_wait3A_197 = arith.constant 0 : i32
      %dma_wait3A_198 = tpu.memref_slice %arg4[%add3A_172, %dma_wait3A_197] : memref<32768x1024xf32, #tpu.memory_space<hbm>> -> memref<24x1024xf32, #tpu.memory_space<hbm>>
      %dma_wait3A_199 = arith.constant 0 : i32
      %dma_wait3A_200 = tpu.memref_slice %arg4[%add3A_172, %dma_wait3A_199] : memref<32768x1024xf32, #tpu.memory_space<hbm>> -> memref<24x1024xf32, #tpu.memory_space<hbm>>
      tpu.wait_dma2 semaphore(%arg23 : memref<!tpu.dma_semaphore, #tpu.memory_space<semaphore_mem>>) src(%arg10 : memref<24x1024xf32, #tpu.memory_space<vmem>>) dst(%dma_wait3A_200 : memref<24x1024xf32, #tpu.memory_space<hbm>>)
      %add3A_201 = arith.constant 240 : i32
      %add3A_202 = arith.addi %add3A_20, %add3A_201 : i32
      %dma_start3A_203 = arith.constant 0 : i32
      %dma_start3A_204 = tpu.memref_slice %arg2[%add3A_202, %dma_start3A_203] : memref<32768x1024xf32, #tpu.memory_space<hbm>> -> memref<24x1024xf32, #tpu.memory_space<hbm>>
      %dma_start3A_205 = arith.constant 0 : i32
      %dma_start3A_206 = tpu.memref_slice %arg2[%add3A_202, %dma_start3A_205] : memref<32768x1024xf32, #tpu.memory_space<hbm>> -> memref<24x1024xf32, #tpu.memory_space<hbm>>
      tpu.enqueue_dma source(%dma_start3A_206 : memref<24x1024xf32, #tpu.memory_space<hbm>>) target(%arg10 : memref<24x1024xf32, #tpu.memory_space<vmem>>) target_semaphore(%arg20 : memref<!tpu.dma_semaphore, #tpu.memory_space<semaphore_mem>>)
      %dma_wait3A_207 = arith.constant 0 : i32
      %dma_wait3A_208 = tpu.memref_slice %arg2[%add3A_182, %dma_wait3A_207] : memref<32768x1024xf32, #tpu.memory_space<hbm>> -> memref<24x1024xf32, #tpu.memory_space<hbm>>
      %dma_wait3A_209 = arith.constant 0 : i32
      %dma_wait3A_210 = tpu.memref_slice %arg2[%add3A_182, %dma_wait3A_209] : memref<32768x1024xf32, #tpu.memory_space<hbm>> -> memref<24x1024xf32, #tpu.memory_space<hbm>>
      tpu.wait_dma2 semaphore(%arg19 : memref<!tpu.dma_semaphore, #tpu.memory_space<semaphore_mem>>) src(%dma_wait3A_210 : memref<24x1024xf32, #tpu.memory_space<hbm>>) dst(%arg9 : memref<24x1024xf32, #tpu.memory_space<vmem>>)
      %add3A_211 = arith.constant 216 : i32
      %add3A_212 = arith.addi %add3A_20, %add3A_211 : i32
      %dma_start3A_213 = arith.constant 0 : i32
      %dma_start3A_214 = tpu.memref_slice %arg4[%add3A_212, %dma_start3A_213] : memref<32768x1024xf32, #tpu.memory_space<hbm>> -> memref<24x1024xf32, #tpu.memory_space<hbm>>
      %dma_start3A_215 = arith.constant 0 : i32
      %dma_start3A_216 = tpu.memref_slice %arg4[%add3A_212, %dma_start3A_215] : memref<32768x1024xf32, #tpu.memory_space<hbm>> -> memref<24x1024xf32, #tpu.memory_space<hbm>>
      tpu.enqueue_dma source(%arg9 : memref<24x1024xf32, #tpu.memory_space<vmem>>) target(%dma_start3A_216 : memref<24x1024xf32, #tpu.memory_space<hbm>>) target_semaphore(%arg22 : memref<!tpu.dma_semaphore, #tpu.memory_space<semaphore_mem>>)
      %dma_wait3A_217 = arith.constant 0 : i32
      %dma_wait3A_218 = tpu.memref_slice %arg4[%add3A_192, %dma_wait3A_217] : memref<32768x1024xf32, #tpu.memory_space<hbm>> -> memref<24x1024xf32, #tpu.memory_space<hbm>>
      %dma_wait3A_219 = arith.constant 0 : i32
      %dma_wait3A_220 = tpu.memref_slice %arg4[%add3A_192, %dma_wait3A_219] : memref<32768x1024xf32, #tpu.memory_space<hbm>> -> memref<24x1024xf32, #tpu.memory_space<hbm>>
      tpu.wait_dma2 semaphore(%arg24 : memref<!tpu.dma_semaphore, #tpu.memory_space<semaphore_mem>>) src(%arg11 : memref<24x1024xf32, #tpu.memory_space<vmem>>) dst(%dma_wait3A_220 : memref<24x1024xf32, #tpu.memory_space<hbm>>)
      %add3A_221 = arith.constant 264 : i32
      %add3A_222 = arith.addi %add3A_20, %add3A_221 : i32
      %dma_start3A_223 = arith.constant 0 : i32
      %dma_start3A_224 = tpu.memref_slice %arg2[%add3A_222, %dma_start3A_223] : memref<32768x1024xf32, #tpu.memory_space<hbm>> -> memref<24x1024xf32, #tpu.memory_space<hbm>>
      %dma_start3A_225 = arith.constant 0 : i32
      %dma_start3A_226 = tpu.memref_slice %arg2[%add3A_222, %dma_start3A_225] : memref<32768x1024xf32, #tpu.memory_space<hbm>> -> memref<24x1024xf32, #tpu.memory_space<hbm>>
      tpu.enqueue_dma source(%dma_start3A_226 : memref<24x1024xf32, #tpu.memory_space<hbm>>) target(%arg11 : memref<24x1024xf32, #tpu.memory_space<vmem>>) target_semaphore(%arg21 : memref<!tpu.dma_semaphore, #tpu.memory_space<semaphore_mem>>)
      %dma_wait3A_227 = arith.constant 0 : i32
      %dma_wait3A_228 = tpu.memref_slice %arg2[%add3A_202, %dma_wait3A_227] : memref<32768x1024xf32, #tpu.memory_space<hbm>> -> memref<24x1024xf32, #tpu.memory_space<hbm>>
      %dma_wait3A_229 = arith.constant 0 : i32
      %dma_wait3A_230 = tpu.memref_slice %arg2[%add3A_202, %dma_wait3A_229] : memref<32768x1024xf32, #tpu.memory_space<hbm>> -> memref<24x1024xf32, #tpu.memory_space<hbm>>
      tpu.wait_dma2 semaphore(%arg20 : memref<!tpu.dma_semaphore, #tpu.memory_space<semaphore_mem>>) src(%dma_wait3A_230 : memref<24x1024xf32, #tpu.memory_space<hbm>>) dst(%arg10 : memref<24x1024xf32, #tpu.memory_space<vmem>>)
      %add3A_231 = arith.constant 240 : i32
      %add3A_232 = arith.addi %add3A_20, %add3A_231 : i32
      %dma_start3A_233 = arith.constant 0 : i32
      %dma_start3A_234 = tpu.memref_slice %arg4[%add3A_232, %dma_start3A_233] : memref<32768x1024xf32, #tpu.memory_space<hbm>> -> memref<24x1024xf32, #tpu.memory_space<hbm>>
      %dma_start3A_235 = arith.constant 0 : i32
      %dma_start3A_236 = tpu.memref_slice %arg4[%add3A_232, %dma_start3A_235] : memref<32768x1024xf32, #tpu.memory_space<hbm>> -> memref<24x1024xf32, #tpu.memory_space<hbm>>
      tpu.enqueue_dma source(%arg10 : memref<24x1024xf32, #tpu.memory_space<vmem>>) target(%dma_start3A_236 : memref<24x1024xf32, #tpu.memory_space<hbm>>) target_semaphore(%arg23 : memref<!tpu.dma_semaphore, #tpu.memory_space<semaphore_mem>>)
      %dma_wait3A_237 = arith.constant 0 : i32
      %dma_wait3A_238 = tpu.memref_slice %arg4[%add3A_212, %dma_wait3A_237] : memref<32768x1024xf32, #tpu.memory_space<hbm>> -> memref<24x1024xf32, #tpu.memory_space<hbm>>
      %dma_wait3A_239 = arith.constant 0 : i32
      %dma_wait3A_240 = tpu.memref_slice %arg4[%add3A_212, %dma_wait3A_239] : memref<32768x1024xf32, #tpu.memory_space<hbm>> -> memref<24x1024xf32, #tpu.memory_space<hbm>>
      tpu.wait_dma2 semaphore(%arg22 : memref<!tpu.dma_semaphore, #tpu.memory_space<semaphore_mem>>) src(%arg9 : memref<24x1024xf32, #tpu.memory_space<vmem>>) dst(%dma_wait3A_240 : memref<24x1024xf32, #tpu.memory_space<hbm>>)
      %add3A_241 = arith.constant 288 : i32
      %add3A_242 = arith.addi %add3A_20, %add3A_241 : i32
      %dma_start3A_243 = arith.constant 0 : i32
      %dma_start3A_244 = tpu.memref_slice %arg2[%add3A_242, %dma_start3A_243] : memref<32768x1024xf32, #tpu.memory_space<hbm>> -> memref<24x1024xf32, #tpu.memory_space<hbm>>
      %dma_start3A_245 = arith.constant 0 : i32
      %dma_start3A_246 = tpu.memref_slice %arg2[%add3A_242, %dma_start3A_245] : memref<32768x1024xf32, #tpu.memory_space<hbm>> -> memref<24x1024xf32, #tpu.memory_space<hbm>>
      tpu.enqueue_dma source(%dma_start3A_246 : memref<24x1024xf32, #tpu.memory_space<hbm>>) target(%arg9 : memref<24x1024xf32, #tpu.memory_space<vmem>>) target_semaphore(%arg19 : memref<!tpu.dma_semaphore, #tpu.memory_space<semaphore_mem>>)
      %dma_wait3A_247 = arith.constant 0 : i32
      %dma_wait3A_248 = tpu.memref_slice %arg2[%add3A_222, %dma_wait3A_247] : memref<32768x1024xf32, #tpu.memory_space<hbm>> -> memref<24x1024xf32, #tpu.memory_space<hbm>>
      %dma_wait3A_249 = arith.constant 0 : i32
      %dma_wait3A_250 = tpu.memref_slice %arg2[%add3A_222, %dma_wait3A_249] : memref<32768x1024xf32, #tpu.memory_space<hbm>> -> memref<24x1024xf32, #tpu.memory_space<hbm>>
      tpu.wait_dma2 semaphore(%arg21 : memref<!tpu.dma_semaphore, #tpu.memory_space<semaphore_mem>>) src(%dma_wait3A_250 : memref<24x1024xf32, #tpu.memory_space<hbm>>) dst(%arg11 : memref<24x1024xf32, #tpu.memory_space<vmem>>)
      %add3A_251 = arith.constant 264 : i32
      %add3A_252 = arith.addi %add3A_20, %add3A_251 : i32
      %dma_start3A_253 = arith.constant 0 : i32
      %dma_start3A_254 = tpu.memref_slice %arg4[%add3A_252, %dma_start3A_253] : memref<32768x1024xf32, #tpu.memory_space<hbm>> -> memref<24x1024xf32, #tpu.memory_space<hbm>>
      %dma_start3A_255 = arith.constant 0 : i32
      %dma_start3A_256 = tpu.memref_slice %arg4[%add3A_252, %dma_start3A_255] : memref<32768x1024xf32, #tpu.memory_space<hbm>> -> memref<24x1024xf32, #tpu.memory_space<hbm>>
      tpu.enqueue_dma source(%arg11 : memref<24x1024xf32, #tpu.memory_space<vmem>>) target(%dma_start3A_256 : memref<24x1024xf32, #tpu.memory_space<hbm>>) target_semaphore(%arg24 : memref<!tpu.dma_semaphore, #tpu.memory_space<semaphore_mem>>)
      %dma_wait3A_257 = arith.constant 0 : i32
      %dma_wait3A_258 = tpu.memref_slice %arg4[%add3A_232, %dma_wait3A_257] : memref<32768x1024xf32, #tpu.memory_space<hbm>> -> memref<24x1024xf32, #tpu.memory_space<hbm>>
      %dma_wait3A_259 = arith.constant 0 : i32
      %dma_wait3A_260 = tpu.memref_slice %arg4[%add3A_232, %dma_wait3A_259] : memref<32768x1024xf32, #tpu.memory_space<hbm>> -> memref<24x1024xf32, #tpu.memory_space<hbm>>
      tpu.wait_dma2 semaphore(%arg23 : memref<!tpu.dma_semaphore, #tpu.memory_space<semaphore_mem>>) src(%arg10 : memref<24x1024xf32, #tpu.memory_space<vmem>>) dst(%dma_wait3A_260 : memref<24x1024xf32, #tpu.memory_space<hbm>>)
      %add3A_261 = arith.constant 312 : i32
      %add3A_262 = arith.addi %add3A_20, %add3A_261 : i32
      %dma_start3A_263 = arith.constant 0 : i32
      %dma_start3A_264 = tpu.memref_slice %arg2[%add3A_262, %dma_start3A_263] : memref<32768x1024xf32, #tpu.memory_space<hbm>> -> memref<24x1024xf32, #tpu.memory_space<hbm>>
      %dma_start3A_265 = arith.constant 0 : i32
      %dma_start3A_266 = tpu.memref_slice %arg2[%add3A_262, %dma_start3A_265] : memref<32768x1024xf32, #tpu.memory_space<hbm>> -> memref<24x1024xf32, #tpu.memory_space<hbm>>
      tpu.enqueue_dma source(%dma_start3A_266 : memref<24x1024xf32, #tpu.memory_space<hbm>>) target(%arg10 : memref<24x1024xf32, #tpu.memory_space<vmem>>) target_semaphore(%arg20 : memref<!tpu.dma_semaphore, #tpu.memory_space<semaphore_mem>>)
      %dma_wait3A_267 = arith.constant 0 : i32
      %dma_wait3A_268 = tpu.memref_slice %arg2[%add3A_242, %dma_wait3A_267] : memref<32768x1024xf32, #tpu.memory_space<hbm>> -> memref<24x1024xf32, #tpu.memory_space<hbm>>
      %dma_wait3A_269 = arith.constant 0 : i32
      %dma_wait3A_270 = tpu.memref_slice %arg2[%add3A_242, %dma_wait3A_269] : memref<32768x1024xf32, #tpu.memory_space<hbm>> -> memref<24x1024xf32, #tpu.memory_space<hbm>>
      tpu.wait_dma2 semaphore(%arg19 : memref<!tpu.dma_semaphore, #tpu.memory_space<semaphore_mem>>) src(%dma_wait3A_270 : memref<24x1024xf32, #tpu.memory_space<hbm>>) dst(%arg9 : memref<24x1024xf32, #tpu.memory_space<vmem>>)
      %add3A_271 = arith.constant 288 : i32
      %add3A_272 = arith.addi %add3A_20, %add3A_271 : i32
      %dma_start3A_273 = arith.constant 0 : i32
      %dma_start3A_274 = tpu.memref_slice %arg4[%add3A_272, %dma_start3A_273] : memref<32768x1024xf32, #tpu.memory_space<hbm>> -> memref<24x1024xf32, #tpu.memory_space<hbm>>
      %dma_start3A_275 = arith.constant 0 : i32
      %dma_start3A_276 = tpu.memref_slice %arg4[%add3A_272, %dma_start3A_275] : memref<32768x1024xf32, #tpu.memory_space<hbm>> -> memref<24x1024xf32, #tpu.memory_space<hbm>>
      tpu.enqueue_dma source(%arg9 : memref<24x1024xf32, #tpu.memory_space<vmem>>) target(%dma_start3A_276 : memref<24x1024xf32, #tpu.memory_space<hbm>>) target_semaphore(%arg22 : memref<!tpu.dma_semaphore, #tpu.memory_space<semaphore_mem>>)
      %dma_wait3A_277 = arith.constant 0 : i32
      %dma_wait3A_278 = tpu.memref_slice %arg4[%add3A_252, %dma_wait3A_277] : memref<32768x1024xf32, #tpu.memory_space<hbm>> -> memref<24x1024xf32, #tpu.memory_space<hbm>>
      %dma_wait3A_279 = arith.constant 0 : i32
      %dma_wait3A_280 = tpu.memref_slice %arg4[%add3A_252, %dma_wait3A_279] : memref<32768x1024xf32, #tpu.memory_space<hbm>> -> memref<24x1024xf32, #tpu.memory_space<hbm>>
      tpu.wait_dma2 semaphore(%arg24 : memref<!tpu.dma_semaphore, #tpu.memory_space<semaphore_mem>>) src(%arg11 : memref<24x1024xf32, #tpu.memory_space<vmem>>) dst(%dma_wait3A_280 : memref<24x1024xf32, #tpu.memory_space<hbm>>)
      %add3A_281 = arith.constant 336 : i32
      %add3A_282 = arith.addi %add3A_20, %add3A_281 : i32
      %dma_start3A_283 = arith.constant 0 : i32
      %dma_start3A_284 = tpu.memref_slice %arg2[%add3A_282, %dma_start3A_283] : memref<32768x1024xf32, #tpu.memory_space<hbm>> -> memref<24x1024xf32, #tpu.memory_space<hbm>>
      %dma_start3A_285 = arith.constant 0 : i32
      %dma_start3A_286 = tpu.memref_slice %arg2[%add3A_282, %dma_start3A_285] : memref<32768x1024xf32, #tpu.memory_space<hbm>> -> memref<24x1024xf32, #tpu.memory_space<hbm>>
      tpu.enqueue_dma source(%dma_start3A_286 : memref<24x1024xf32, #tpu.memory_space<hbm>>) target(%arg11 : memref<24x1024xf32, #tpu.memory_space<vmem>>) target_semaphore(%arg21 : memref<!tpu.dma_semaphore, #tpu.memory_space<semaphore_mem>>)
      %dma_wait3A_287 = arith.constant 0 : i32
      %dma_wait3A_288 = tpu.memref_slice %arg2[%add3A_262, %dma_wait3A_287] : memref<32768x1024xf32, #tpu.memory_space<hbm>> -> memref<24x1024xf32, #tpu.memory_space<hbm>>
      %dma_wait3A_289 = arith.constant 0 : i32
      %dma_wait3A_290 = tpu.memref_slice %arg2[%add3A_262, %dma_wait3A_289] : memref<32768x1024xf32, #tpu.memory_space<hbm>> -> memref<24x1024xf32, #tpu.memory_space<hbm>>
      tpu.wait_dma2 semaphore(%arg20 : memref<!tpu.dma_semaphore, #tpu.memory_space<semaphore_mem>>) src(%dma_wait3A_290 : memref<24x1024xf32, #tpu.memory_space<hbm>>) dst(%arg10 : memref<24x1024xf32, #tpu.memory_space<vmem>>)
      %add3A_291 = arith.constant 312 : i32
      %add3A_292 = arith.addi %add3A_20, %add3A_291 : i32
      %dma_start3A_293 = arith.constant 0 : i32
      %dma_start3A_294 = tpu.memref_slice %arg4[%add3A_292, %dma_start3A_293] : memref<32768x1024xf32, #tpu.memory_space<hbm>> -> memref<24x1024xf32, #tpu.memory_space<hbm>>
      %dma_start3A_295 = arith.constant 0 : i32
      %dma_start3A_296 = tpu.memref_slice %arg4[%add3A_292, %dma_start3A_295] : memref<32768x1024xf32, #tpu.memory_space<hbm>> -> memref<24x1024xf32, #tpu.memory_space<hbm>>
      tpu.enqueue_dma source(%arg10 : memref<24x1024xf32, #tpu.memory_space<vmem>>) target(%dma_start3A_296 : memref<24x1024xf32, #tpu.memory_space<hbm>>) target_semaphore(%arg23 : memref<!tpu.dma_semaphore, #tpu.memory_space<semaphore_mem>>)
      %dma_wait3A_297 = arith.constant 0 : i32
      %dma_wait3A_298 = tpu.memref_slice %arg4[%add3A_272, %dma_wait3A_297] : memref<32768x1024xf32, #tpu.memory_space<hbm>> -> memref<24x1024xf32, #tpu.memory_space<hbm>>
      %dma_wait3A_299 = arith.constant 0 : i32
      %dma_wait3A_300 = tpu.memref_slice %arg4[%add3A_272, %dma_wait3A_299] : memref<32768x1024xf32, #tpu.memory_space<hbm>> -> memref<24x1024xf32, #tpu.memory_space<hbm>>
      tpu.wait_dma2 semaphore(%arg22 : memref<!tpu.dma_semaphore, #tpu.memory_space<semaphore_mem>>) src(%arg9 : memref<24x1024xf32, #tpu.memory_space<vmem>>) dst(%dma_wait3A_300 : memref<24x1024xf32, #tpu.memory_space<hbm>>)
      %add3A_301 = arith.constant 360 : i32
      %add3A_302 = arith.addi %add3A_20, %add3A_301 : i32
      %dma_start3A_303 = arith.constant 0 : i32
      %dma_start3A_304 = tpu.memref_slice %arg2[%add3A_302, %dma_start3A_303] : memref<32768x1024xf32, #tpu.memory_space<hbm>> -> memref<24x1024xf32, #tpu.memory_space<hbm>>
      %dma_start3A_305 = arith.constant 0 : i32
      %dma_start3A_306 = tpu.memref_slice %arg2[%add3A_302, %dma_start3A_305] : memref<32768x1024xf32, #tpu.memory_space<hbm>> -> memref<24x1024xf32, #tpu.memory_space<hbm>>
      tpu.enqueue_dma source(%dma_start3A_306 : memref<24x1024xf32, #tpu.memory_space<hbm>>) target(%arg9 : memref<24x1024xf32, #tpu.memory_space<vmem>>) target_semaphore(%arg19 : memref<!tpu.dma_semaphore, #tpu.memory_space<semaphore_mem>>)
      %dma_wait3A_307 = arith.constant 0 : i32
      %dma_wait3A_308 = tpu.memref_slice %arg2[%add3A_282, %dma_wait3A_307] : memref<32768x1024xf32, #tpu.memory_space<hbm>> -> memref<24x1024xf32, #tpu.memory_space<hbm>>
      %dma_wait3A_309 = arith.constant 0 : i32
      %dma_wait3A_310 = tpu.memref_slice %arg2[%add3A_282, %dma_wait3A_309] : memref<32768x1024xf32, #tpu.memory_space<hbm>> -> memref<24x1024xf32, #tpu.memory_space<hbm>>
      tpu.wait_dma2 semaphore(%arg21 : memref<!tpu.dma_semaphore, #tpu.memory_space<semaphore_mem>>) src(%dma_wait3A_310 : memref<24x1024xf32, #tpu.memory_space<hbm>>) dst(%arg11 : memref<24x1024xf32, #tpu.memory_space<vmem>>)
      %add3A_311 = arith.constant 336 : i32
      %add3A_312 = arith.addi %add3A_20, %add3A_311 : i32
      %dma_start3A_313 = arith.constant 0 : i32
      %dma_start3A_314 = tpu.memref_slice %arg4[%add3A_312, %dma_start3A_313] : memref<32768x1024xf32, #tpu.memory_space<hbm>> -> memref<24x1024xf32, #tpu.memory_space<hbm>>
      %dma_start3A_315 = arith.constant 0 : i32
      %dma_start3A_316 = tpu.memref_slice %arg4[%add3A_312, %dma_start3A_315] : memref<32768x1024xf32, #tpu.memory_space<hbm>> -> memref<24x1024xf32, #tpu.memory_space<hbm>>
      tpu.enqueue_dma source(%arg11 : memref<24x1024xf32, #tpu.memory_space<vmem>>) target(%dma_start3A_316 : memref<24x1024xf32, #tpu.memory_space<hbm>>) target_semaphore(%arg24 : memref<!tpu.dma_semaphore, #tpu.memory_space<semaphore_mem>>)
      %dma_wait3A_317 = arith.constant 0 : i32
      %dma_wait3A_318 = tpu.memref_slice %arg4[%add3A_292, %dma_wait3A_317] : memref<32768x1024xf32, #tpu.memory_space<hbm>> -> memref<24x1024xf32, #tpu.memory_space<hbm>>
      %dma_wait3A_319 = arith.constant 0 : i32
      %dma_wait3A_320 = tpu.memref_slice %arg4[%add3A_292, %dma_wait3A_319] : memref<32768x1024xf32, #tpu.memory_space<hbm>> -> memref<24x1024xf32, #tpu.memory_space<hbm>>
      tpu.wait_dma2 semaphore(%arg23 : memref<!tpu.dma_semaphore, #tpu.memory_space<semaphore_mem>>) src(%arg10 : memref<24x1024xf32, #tpu.memory_space<vmem>>) dst(%dma_wait3A_320 : memref<24x1024xf32, #tpu.memory_space<hbm>>)
      %add3A_321 = arith.constant 384 : i32
      %add3A_322 = arith.addi %add3A_20, %add3A_321 : i32
      %dma_start3A_323 = arith.constant 0 : i32
      %dma_start3A_324 = tpu.memref_slice %arg2[%add3A_322, %dma_start3A_323] : memref<32768x1024xf32, #tpu.memory_space<hbm>> -> memref<24x1024xf32, #tpu.memory_space<hbm>>
      %dma_start3A_325 = arith.constant 0 : i32
      %dma_start3A_326 = tpu.memref_slice %arg2[%add3A_322, %dma_start3A_325] : memref<32768x1024xf32, #tpu.memory_space<hbm>> -> memref<24x1024xf32, #tpu.memory_space<hbm>>
      tpu.enqueue_dma source(%dma_start3A_326 : memref<24x1024xf32, #tpu.memory_space<hbm>>) target(%arg10 : memref<24x1024xf32, #tpu.memory_space<vmem>>) target_semaphore(%arg20 : memref<!tpu.dma_semaphore, #tpu.memory_space<semaphore_mem>>)
      %dma_wait3A_327 = arith.constant 0 : i32
      %dma_wait3A_328 = tpu.memref_slice %arg2[%add3A_302, %dma_wait3A_327] : memref<32768x1024xf32, #tpu.memory_space<hbm>> -> memref<24x1024xf32, #tpu.memory_space<hbm>>
      %dma_wait3A_329 = arith.constant 0 : i32
      %dma_wait3A_330 = tpu.memref_slice %arg2[%add3A_302, %dma_wait3A_329] : memref<32768x1024xf32, #tpu.memory_space<hbm>> -> memref<24x1024xf32, #tpu.memory_space<hbm>>
      tpu.wait_dma2 semaphore(%arg19 : memref<!tpu.dma_semaphore, #tpu.memory_space<semaphore_mem>>) src(%dma_wait3A_330 : memref<24x1024xf32, #tpu.memory_space<hbm>>) dst(%arg9 : memref<24x1024xf32, #tpu.memory_space<vmem>>)
      %add3A_331 = arith.constant 360 : i32
      %add3A_332 = arith.addi %add3A_20, %add3A_331 : i32
      %dma_start3A_333 = arith.constant 0 : i32
      %dma_start3A_334 = tpu.memref_slice %arg4[%add3A_332, %dma_start3A_333] : memref<32768x1024xf32, #tpu.memory_space<hbm>> -> memref<24x1024xf32, #tpu.memory_space<hbm>>
      %dma_start3A_335 = arith.constant 0 : i32
      %dma_start3A_336 = tpu.memref_slice %arg4[%add3A_332, %dma_start3A_335] : memref<32768x1024xf32, #tpu.memory_space<hbm>> -> memref<24x1024xf32, #tpu.memory_space<hbm>>
      tpu.enqueue_dma source(%arg9 : memref<24x1024xf32, #tpu.memory_space<vmem>>) target(%dma_start3A_336 : memref<24x1024xf32, #tpu.memory_space<hbm>>) target_semaphore(%arg22 : memref<!tpu.dma_semaphore, #tpu.memory_space<semaphore_mem>>)
      %dma_wait3A_337 = arith.constant 0 : i32
      %dma_wait3A_338 = tpu.memref_slice %arg4[%add3A_312, %dma_wait3A_337] : memref<32768x1024xf32, #tpu.memory_space<hbm>> -> memref<24x1024xf32, #tpu.memory_space<hbm>>
      %dma_wait3A_339 = arith.constant 0 : i32
      %dma_wait3A_340 = tpu.memref_slice %arg4[%add3A_312, %dma_wait3A_339] : memref<32768x1024xf32, #tpu.memory_space<hbm>> -> memref<24x1024xf32, #tpu.memory_space<hbm>>
      tpu.wait_dma2 semaphore(%arg24 : memref<!tpu.dma_semaphore, #tpu.memory_space<semaphore_mem>>) src(%arg11 : memref<24x1024xf32, #tpu.memory_space<vmem>>) dst(%dma_wait3A_340 : memref<24x1024xf32, #tpu.memory_space<hbm>>)
      %add3A_341 = arith.constant 408 : i32
      %add3A_342 = arith.addi %add3A_20, %add3A_341 : i32
      %dma_start3A_343 = arith.constant 0 : i32
      %dma_start3A_344 = tpu.memref_slice %arg2[%add3A_342, %dma_start3A_343] : memref<32768x1024xf32, #tpu.memory_space<hbm>> -> memref<24x1024xf32, #tpu.memory_space<hbm>>
      %dma_start3A_345 = arith.constant 0 : i32
      %dma_start3A_346 = tpu.memref_slice %arg2[%add3A_342, %dma_start3A_345] : memref<32768x1024xf32, #tpu.memory_space<hbm>> -> memref<24x1024xf32, #tpu.memory_space<hbm>>
      tpu.enqueue_dma source(%dma_start3A_346 : memref<24x1024xf32, #tpu.memory_space<hbm>>) target(%arg11 : memref<24x1024xf32, #tpu.memory_space<vmem>>) target_semaphore(%arg21 : memref<!tpu.dma_semaphore, #tpu.memory_space<semaphore_mem>>)
      %dma_wait3A_347 = arith.constant 0 : i32
      %dma_wait3A_348 = tpu.memref_slice %arg2[%add3A_322, %dma_wait3A_347] : memref<32768x1024xf32, #tpu.memory_space<hbm>> -> memref<24x1024xf32, #tpu.memory_space<hbm>>
      %dma_wait3A_349 = arith.constant 0 : i32
      %dma_wait3A_350 = tpu.memref_slice %arg2[%add3A_322, %dma_wait3A_349] : memref<32768x1024xf32, #tpu.memory_space<hbm>> -> memref<24x1024xf32, #tpu.memory_space<hbm>>
      tpu.wait_dma2 semaphore(%arg20 : memref<!tpu.dma_semaphore, #tpu.memory_space<semaphore_mem>>) src(%dma_wait3A_350 : memref<24x1024xf32, #tpu.memory_space<hbm>>) dst(%arg10 : memref<24x1024xf32, #tpu.memory_space<vmem>>)
      %add3A_351 = arith.constant 384 : i32
      %add3A_352 = arith.addi %add3A_20, %add3A_351 : i32
      %dma_start3A_353 = arith.constant 0 : i32
      %dma_start3A_354 = tpu.memref_slice %arg4[%add3A_352, %dma_start3A_353] : memref<32768x1024xf32, #tpu.memory_space<hbm>> -> memref<24x1024xf32, #tpu.memory_space<hbm>>
      %dma_start3A_355 = arith.constant 0 : i32
      %dma_start3A_356 = tpu.memref_slice %arg4[%add3A_352, %dma_start3A_355] : memref<32768x1024xf32, #tpu.memory_space<hbm>> -> memref<24x1024xf32, #tpu.memory_space<hbm>>
      tpu.enqueue_dma source(%arg10 : memref<24x1024xf32, #tpu.memory_space<vmem>>) target(%dma_start3A_356 : memref<24x1024xf32, #tpu.memory_space<hbm>>) target_semaphore(%arg23 : memref<!tpu.dma_semaphore, #tpu.memory_space<semaphore_mem>>)
      %dma_wait3A_357 = arith.constant 0 : i32
      %dma_wait3A_358 = tpu.memref_slice %arg4[%add3A_332, %dma_wait3A_357] : memref<32768x1024xf32, #tpu.memory_space<hbm>> -> memref<24x1024xf32, #tpu.memory_space<hbm>>
      %dma_wait3A_359 = arith.constant 0 : i32
      %dma_wait3A_360 = tpu.memref_slice %arg4[%add3A_332, %dma_wait3A_359] : memref<32768x1024xf32, #tpu.memory_space<hbm>> -> memref<24x1024xf32, #tpu.memory_space<hbm>>
      tpu.wait_dma2 semaphore(%arg22 : memref<!tpu.dma_semaphore, #tpu.memory_space<semaphore_mem>>) src(%arg9 : memref<24x1024xf32, #tpu.memory_space<vmem>>) dst(%dma_wait3A_360 : memref<24x1024xf32, #tpu.memory_space<hbm>>)
      %add3A_361 = arith.constant 432 : i32
      %add3A_362 = arith.addi %add3A_20, %add3A_361 : i32
      %dma_start3A_363 = arith.constant 0 : i32
      %dma_start3A_364 = tpu.memref_slice %arg2[%add3A_362, %dma_start3A_363] : memref<32768x1024xf32, #tpu.memory_space<hbm>> -> memref<24x1024xf32, #tpu.memory_space<hbm>>
      %dma_start3A_365 = arith.constant 0 : i32
      %dma_start3A_366 = tpu.memref_slice %arg2[%add3A_362, %dma_start3A_365] : memref<32768x1024xf32, #tpu.memory_space<hbm>> -> memref<24x1024xf32, #tpu.memory_space<hbm>>
      tpu.enqueue_dma source(%dma_start3A_366 : memref<24x1024xf32, #tpu.memory_space<hbm>>) target(%arg9 : memref<24x1024xf32, #tpu.memory_space<vmem>>) target_semaphore(%arg19 : memref<!tpu.dma_semaphore, #tpu.memory_space<semaphore_mem>>)
      %dma_wait3A_367 = arith.constant 0 : i32
      %dma_wait3A_368 = tpu.memref_slice %arg2[%add3A_342, %dma_wait3A_367] : memref<32768x1024xf32, #tpu.memory_space<hbm>> -> memref<24x1024xf32, #tpu.memory_space<hbm>>
      %dma_wait3A_369 = arith.constant 0 : i32
      %dma_wait3A_370 = tpu.memref_slice %arg2[%add3A_342, %dma_wait3A_369] : memref<32768x1024xf32, #tpu.memory_space<hbm>> -> memref<24x1024xf32, #tpu.memory_space<hbm>>
      tpu.wait_dma2 semaphore(%arg21 : memref<!tpu.dma_semaphore, #tpu.memory_space<semaphore_mem>>) src(%dma_wait3A_370 : memref<24x1024xf32, #tpu.memory_space<hbm>>) dst(%arg11 : memref<24x1024xf32, #tpu.memory_space<vmem>>)
      %add3A_371 = arith.constant 408 : i32
      %add3A_372 = arith.addi %add3A_20, %add3A_371 : i32
      %dma_start3A_373 = arith.constant 0 : i32
      %dma_start3A_374 = tpu.memref_slice %arg4[%add3A_372, %dma_start3A_373] : memref<32768x1024xf32, #tpu.memory_space<hbm>> -> memref<24x1024xf32, #tpu.memory_space<hbm>>
      %dma_start3A_375 = arith.constant 0 : i32
      %dma_start3A_376 = tpu.memref_slice %arg4[%add3A_372, %dma_start3A_375] : memref<32768x1024xf32, #tpu.memory_space<hbm>> -> memref<24x1024xf32, #tpu.memory_space<hbm>>
      tpu.enqueue_dma source(%arg11 : memref<24x1024xf32, #tpu.memory_space<vmem>>) target(%dma_start3A_376 : memref<24x1024xf32, #tpu.memory_space<hbm>>) target_semaphore(%arg24 : memref<!tpu.dma_semaphore, #tpu.memory_space<semaphore_mem>>)
      %dma_wait3A_377 = arith.constant 0 : i32
      %dma_wait3A_378 = tpu.memref_slice %arg4[%add3A_352, %dma_wait3A_377] : memref<32768x1024xf32, #tpu.memory_space<hbm>> -> memref<24x1024xf32, #tpu.memory_space<hbm>>
      %dma_wait3A_379 = arith.constant 0 : i32
      %dma_wait3A_380 = tpu.memref_slice %arg4[%add3A_352, %dma_wait3A_379] : memref<32768x1024xf32, #tpu.memory_space<hbm>> -> memref<24x1024xf32, #tpu.memory_space<hbm>>
      tpu.wait_dma2 semaphore(%arg23 : memref<!tpu.dma_semaphore, #tpu.memory_space<semaphore_mem>>) src(%arg10 : memref<24x1024xf32, #tpu.memory_space<vmem>>) dst(%dma_wait3A_380 : memref<24x1024xf32, #tpu.memory_space<hbm>>)
      %add3A_381 = arith.constant 456 : i32
      %add3A_382 = arith.addi %add3A_20, %add3A_381 : i32
      %dma_start3A_383 = arith.constant 0 : i32
      %dma_start3A_384 = tpu.memref_slice %arg2[%add3A_382, %dma_start3A_383] : memref<32768x1024xf32, #tpu.memory_space<hbm>> -> memref<24x1024xf32, #tpu.memory_space<hbm>>
      %dma_start3A_385 = arith.constant 0 : i32
      %dma_start3A_386 = tpu.memref_slice %arg2[%add3A_382, %dma_start3A_385] : memref<32768x1024xf32, #tpu.memory_space<hbm>> -> memref<24x1024xf32, #tpu.memory_space<hbm>>
      tpu.enqueue_dma source(%dma_start3A_386 : memref<24x1024xf32, #tpu.memory_space<hbm>>) target(%arg10 : memref<24x1024xf32, #tpu.memory_space<vmem>>) target_semaphore(%arg20 : memref<!tpu.dma_semaphore, #tpu.memory_space<semaphore_mem>>)
      %dma_wait3A_387 = arith.constant 0 : i32
      %dma_wait3A_388 = tpu.memref_slice %arg2[%add3A_362, %dma_wait3A_387] : memref<32768x1024xf32, #tpu.memory_space<hbm>> -> memref<24x1024xf32, #tpu.memory_space<hbm>>
      %dma_wait3A_389 = arith.constant 0 : i32
      %dma_wait3A_390 = tpu.memref_slice %arg2[%add3A_362, %dma_wait3A_389] : memref<32768x1024xf32, #tpu.memory_space<hbm>> -> memref<24x1024xf32, #tpu.memory_space<hbm>>
      tpu.wait_dma2 semaphore(%arg19 : memref<!tpu.dma_semaphore, #tpu.memory_space<semaphore_mem>>) src(%dma_wait3A_390 : memref<24x1024xf32, #tpu.memory_space<hbm>>) dst(%arg9 : memref<24x1024xf32, #tpu.memory_space<vmem>>)
      %add3A_391 = arith.constant 432 : i32
      %add3A_392 = arith.addi %add3A_20, %add3A_391 : i32
      %dma_start3A_393 = arith.constant 0 : i32
      %dma_start3A_394 = tpu.memref_slice %arg4[%add3A_392, %dma_start3A_393] : memref<32768x1024xf32, #tpu.memory_space<hbm>> -> memref<24x1024xf32, #tpu.memory_space<hbm>>
      %dma_start3A_395 = arith.constant 0 : i32
      %dma_start3A_396 = tpu.memref_slice %arg4[%add3A_392, %dma_start3A_395] : memref<32768x1024xf32, #tpu.memory_space<hbm>> -> memref<24x1024xf32, #tpu.memory_space<hbm>>
      tpu.enqueue_dma source(%arg9 : memref<24x1024xf32, #tpu.memory_space<vmem>>) target(%dma_start3A_396 : memref<24x1024xf32, #tpu.memory_space<hbm>>) target_semaphore(%arg22 : memref<!tpu.dma_semaphore, #tpu.memory_space<semaphore_mem>>)
      %dma_wait3A_397 = arith.constant 0 : i32
      %dma_wait3A_398 = tpu.memref_slice %arg4[%add3A_372, %dma_wait3A_397] : memref<32768x1024xf32, #tpu.memory_space<hbm>> -> memref<24x1024xf32, #tpu.memory_space<hbm>>
      %dma_wait3A_399 = arith.constant 0 : i32
      %dma_wait3A_400 = tpu.memref_slice %arg4[%add3A_372, %dma_wait3A_399] : memref<32768x1024xf32, #tpu.memory_space<hbm>> -> memref<24x1024xf32, #tpu.memory_space<hbm>>
      tpu.wait_dma2 semaphore(%arg24 : memref<!tpu.dma_semaphore, #tpu.memory_space<semaphore_mem>>) src(%arg11 : memref<24x1024xf32, #tpu.memory_space<vmem>>) dst(%dma_wait3A_400 : memref<24x1024xf32, #tpu.memory_space<hbm>>)
      %add3A_401 = arith.constant 480 : i32
      %add3A_402 = arith.addi %add3A_20, %add3A_401 : i32
      %dma_start3A_403 = arith.constant 0 : i32
      %dma_start3A_404 = tpu.memref_slice %arg2[%add3A_402, %dma_start3A_403] : memref<32768x1024xf32, #tpu.memory_space<hbm>> -> memref<24x1024xf32, #tpu.memory_space<hbm>>
      %dma_start3A_405 = arith.constant 0 : i32
      %dma_start3A_406 = tpu.memref_slice %arg2[%add3A_402, %dma_start3A_405] : memref<32768x1024xf32, #tpu.memory_space<hbm>> -> memref<24x1024xf32, #tpu.memory_space<hbm>>
      tpu.enqueue_dma source(%dma_start3A_406 : memref<24x1024xf32, #tpu.memory_space<hbm>>) target(%arg11 : memref<24x1024xf32, #tpu.memory_space<vmem>>) target_semaphore(%arg21 : memref<!tpu.dma_semaphore, #tpu.memory_space<semaphore_mem>>)
      %dma_wait3A_407 = arith.constant 0 : i32
      %dma_wait3A_408 = tpu.memref_slice %arg2[%add3A_382, %dma_wait3A_407] : memref<32768x1024xf32, #tpu.memory_space<hbm>> -> memref<24x1024xf32, #tpu.memory_space<hbm>>
      %dma_wait3A_409 = arith.constant 0 : i32
      %dma_wait3A_410 = tpu.memref_slice %arg2[%add3A_382, %dma_wait3A_409] : memref<32768x1024xf32, #tpu.memory_space<hbm>> -> memref<24x1024xf32, #tpu.memory_space<hbm>>
      tpu.wait_dma2 semaphore(%arg20 : memref<!tpu.dma_semaphore, #tpu.memory_space<semaphore_mem>>) src(%dma_wait3A_410 : memref<24x1024xf32, #tpu.memory_space<hbm>>) dst(%arg10 : memref<24x1024xf32, #tpu.memory_space<vmem>>)
      %add3A_411 = arith.constant 456 : i32
      %add3A_412 = arith.addi %add3A_20, %add3A_411 : i32
      %dma_start3A_413 = arith.constant 0 : i32
      %dma_start3A_414 = tpu.memref_slice %arg4[%add3A_412, %dma_start3A_413] : memref<32768x1024xf32, #tpu.memory_space<hbm>> -> memref<24x1024xf32, #tpu.memory_space<hbm>>
      %dma_start3A_415 = arith.constant 0 : i32
      %dma_start3A_416 = tpu.memref_slice %arg4[%add3A_412, %dma_start3A_415] : memref<32768x1024xf32, #tpu.memory_space<hbm>> -> memref<24x1024xf32, #tpu.memory_space<hbm>>
      tpu.enqueue_dma source(%arg10 : memref<24x1024xf32, #tpu.memory_space<vmem>>) target(%dma_start3A_416 : memref<24x1024xf32, #tpu.memory_space<hbm>>) target_semaphore(%arg23 : memref<!tpu.dma_semaphore, #tpu.memory_space<semaphore_mem>>)
      %dma_wait3A_417 = arith.constant 0 : i32
      %dma_wait3A_418 = tpu.memref_slice %arg4[%add3A_392, %dma_wait3A_417] : memref<32768x1024xf32, #tpu.memory_space<hbm>> -> memref<24x1024xf32, #tpu.memory_space<hbm>>
      %dma_wait3A_419 = arith.constant 0 : i32
      %dma_wait3A_420 = tpu.memref_slice %arg4[%add3A_392, %dma_wait3A_419] : memref<32768x1024xf32, #tpu.memory_space<hbm>> -> memref<24x1024xf32, #tpu.memory_space<hbm>>
      tpu.wait_dma2 semaphore(%arg22 : memref<!tpu.dma_semaphore, #tpu.memory_space<semaphore_mem>>) src(%arg9 : memref<24x1024xf32, #tpu.memory_space<vmem>>) dst(%dma_wait3A_420 : memref<24x1024xf32, #tpu.memory_space<hbm>>)
      %add3A_421 = arith.constant 504 : i32
      %add3A_422 = arith.addi %add3A_20, %add3A_421 : i32
      %dma_start3A_423 = arith.constant 0 : i32
      %dma_start3A_424 = tpu.memref_slice %arg2[%add3A_422, %dma_start3A_423] : memref<32768x1024xf32, #tpu.memory_space<hbm>> -> memref<24x1024xf32, #tpu.memory_space<hbm>>
      %dma_start3A_425 = arith.constant 0 : i32
      %dma_start3A_426 = tpu.memref_slice %arg2[%add3A_422, %dma_start3A_425] : memref<32768x1024xf32, #tpu.memory_space<hbm>> -> memref<24x1024xf32, #tpu.memory_space<hbm>>
      tpu.enqueue_dma source(%dma_start3A_426 : memref<24x1024xf32, #tpu.memory_space<hbm>>) target(%arg9 : memref<24x1024xf32, #tpu.memory_space<vmem>>) target_semaphore(%arg19 : memref<!tpu.dma_semaphore, #tpu.memory_space<semaphore_mem>>)
      %dma_wait3A_427 = arith.constant 0 : i32
      %dma_wait3A_428 = tpu.memref_slice %arg2[%add3A_402, %dma_wait3A_427] : memref<32768x1024xf32, #tpu.memory_space<hbm>> -> memref<24x1024xf32, #tpu.memory_space<hbm>>
      %dma_wait3A_429 = arith.constant 0 : i32
      %dma_wait3A_430 = tpu.memref_slice %arg2[%add3A_402, %dma_wait3A_429] : memref<32768x1024xf32, #tpu.memory_space<hbm>> -> memref<24x1024xf32, #tpu.memory_space<hbm>>
      tpu.wait_dma2 semaphore(%arg21 : memref<!tpu.dma_semaphore, #tpu.memory_space<semaphore_mem>>) src(%dma_wait3A_430 : memref<24x1024xf32, #tpu.memory_space<hbm>>) dst(%arg11 : memref<24x1024xf32, #tpu.memory_space<vmem>>)
      %add3A_431 = arith.constant 480 : i32
      %add3A_432 = arith.addi %add3A_20, %add3A_431 : i32
      %dma_start3A_433 = arith.constant 0 : i32
      %dma_start3A_434 = tpu.memref_slice %arg4[%add3A_432, %dma_start3A_433] : memref<32768x1024xf32, #tpu.memory_space<hbm>> -> memref<24x1024xf32, #tpu.memory_space<hbm>>
      %dma_start3A_435 = arith.constant 0 : i32
      %dma_start3A_436 = tpu.memref_slice %arg4[%add3A_432, %dma_start3A_435] : memref<32768x1024xf32, #tpu.memory_space<hbm>> -> memref<24x1024xf32, #tpu.memory_space<hbm>>
      tpu.enqueue_dma source(%arg11 : memref<24x1024xf32, #tpu.memory_space<vmem>>) target(%dma_start3A_436 : memref<24x1024xf32, #tpu.memory_space<hbm>>) target_semaphore(%arg24 : memref<!tpu.dma_semaphore, #tpu.memory_space<semaphore_mem>>)
      %dma_wait3A_437 = arith.constant 0 : i32
      %dma_wait3A_438 = tpu.memref_slice %arg4[%add3A_412, %dma_wait3A_437] : memref<32768x1024xf32, #tpu.memory_space<hbm>> -> memref<24x1024xf32, #tpu.memory_space<hbm>>
      %dma_wait3A_439 = arith.constant 0 : i32
      %dma_wait3A_440 = tpu.memref_slice %arg4[%add3A_412, %dma_wait3A_439] : memref<32768x1024xf32, #tpu.memory_space<hbm>> -> memref<24x1024xf32, #tpu.memory_space<hbm>>
      tpu.wait_dma2 semaphore(%arg23 : memref<!tpu.dma_semaphore, #tpu.memory_space<semaphore_mem>>) src(%arg10 : memref<24x1024xf32, #tpu.memory_space<vmem>>) dst(%dma_wait3A_440 : memref<24x1024xf32, #tpu.memory_space<hbm>>)
      %add3A_441 = arith.constant 528 : i32
      %add3A_442 = arith.addi %add3A_20, %add3A_441 : i32
      %dma_start3A_443 = arith.constant 0 : i32
      %dma_start3A_444 = tpu.memref_slice %arg2[%add3A_442, %dma_start3A_443] : memref<32768x1024xf32, #tpu.memory_space<hbm>> -> memref<24x1024xf32, #tpu.memory_space<hbm>>
      %dma_start3A_445 = arith.constant 0 : i32
      %dma_start3A_446 = tpu.memref_slice %arg2[%add3A_442, %dma_start3A_445] : memref<32768x1024xf32, #tpu.memory_space<hbm>> -> memref<24x1024xf32, #tpu.memory_space<hbm>>
      tpu.enqueue_dma source(%dma_start3A_446 : memref<24x1024xf32, #tpu.memory_space<hbm>>) target(%arg10 : memref<24x1024xf32, #tpu.memory_space<vmem>>) target_semaphore(%arg20 : memref<!tpu.dma_semaphore, #tpu.memory_space<semaphore_mem>>)
      %dma_wait3A_447 = arith.constant 0 : i32
      %dma_wait3A_448 = tpu.memref_slice %arg2[%add3A_422, %dma_wait3A_447] : memref<32768x1024xf32, #tpu.memory_space<hbm>> -> memref<24x1024xf32, #tpu.memory_space<hbm>>
      %dma_wait3A_449 = arith.constant 0 : i32
      %dma_wait3A_450 = tpu.memref_slice %arg2[%add3A_422, %dma_wait3A_449] : memref<32768x1024xf32, #tpu.memory_space<hbm>> -> memref<24x1024xf32, #tpu.memory_space<hbm>>
      tpu.wait_dma2 semaphore(%arg19 : memref<!tpu.dma_semaphore, #tpu.memory_space<semaphore_mem>>) src(%dma_wait3A_450 : memref<24x1024xf32, #tpu.memory_space<hbm>>) dst(%arg9 : memref<24x1024xf32, #tpu.memory_space<vmem>>)
      %add3A_451 = arith.constant 504 : i32
      %add3A_452 = arith.addi %add3A_20, %add3A_451 : i32
      %dma_start3A_453 = arith.constant 0 : i32
      %dma_start3A_454 = tpu.memref_slice %arg4[%add3A_452, %dma_start3A_453] : memref<32768x1024xf32, #tpu.memory_space<hbm>> -> memref<24x1024xf32, #tpu.memory_space<hbm>>
      %dma_start3A_455 = arith.constant 0 : i32
      %dma_start3A_456 = tpu.memref_slice %arg4[%add3A_452, %dma_start3A_455] : memref<32768x1024xf32, #tpu.memory_space<hbm>> -> memref<24x1024xf32, #tpu.memory_space<hbm>>
      tpu.enqueue_dma source(%arg9 : memref<24x1024xf32, #tpu.memory_space<vmem>>) target(%dma_start3A_456 : memref<24x1024xf32, #tpu.memory_space<hbm>>) target_semaphore(%arg22 : memref<!tpu.dma_semaphore, #tpu.memory_space<semaphore_mem>>)
      %dma_wait3A_457 = arith.constant 0 : i32
      %dma_wait3A_458 = tpu.memref_slice %arg4[%add3A_432, %dma_wait3A_457] : memref<32768x1024xf32, #tpu.memory_space<hbm>> -> memref<24x1024xf32, #tpu.memory_space<hbm>>
      %dma_wait3A_459 = arith.constant 0 : i32
      %dma_wait3A_460 = tpu.memref_slice %arg4[%add3A_432, %dma_wait3A_459] : memref<32768x1024xf32, #tpu.memory_space<hbm>> -> memref<24x1024xf32, #tpu.memory_space<hbm>>
      tpu.wait_dma2 semaphore(%arg24 : memref<!tpu.dma_semaphore, #tpu.memory_space<semaphore_mem>>) src(%arg11 : memref<24x1024xf32, #tpu.memory_space<vmem>>) dst(%dma_wait3A_460 : memref<24x1024xf32, #tpu.memory_space<hbm>>)
      %add3A_461 = arith.constant 552 : i32
      %add3A_462 = arith.addi %add3A_20, %add3A_461 : i32
      %dma_start3A_463 = arith.constant 0 : i32
      %dma_start3A_464 = tpu.memref_slice %arg2[%add3A_462, %dma_start3A_463] : memref<32768x1024xf32, #tpu.memory_space<hbm>> -> memref<24x1024xf32, #tpu.memory_space<hbm>>
      %dma_start3A_465 = arith.constant 0 : i32
      %dma_start3A_466 = tpu.memref_slice %arg2[%add3A_462, %dma_start3A_465] : memref<32768x1024xf32, #tpu.memory_space<hbm>> -> memref<24x1024xf32, #tpu.memory_space<hbm>>
      tpu.enqueue_dma source(%dma_start3A_466 : memref<24x1024xf32, #tpu.memory_space<hbm>>) target(%arg11 : memref<24x1024xf32, #tpu.memory_space<vmem>>) target_semaphore(%arg21 : memref<!tpu.dma_semaphore, #tpu.memory_space<semaphore_mem>>)
      %dma_wait3A_467 = arith.constant 0 : i32
      %dma_wait3A_468 = tpu.memref_slice %arg2[%add3A_442, %dma_wait3A_467] : memref<32768x1024xf32, #tpu.memory_space<hbm>> -> memref<24x1024xf32, #tpu.memory_space<hbm>>
      %dma_wait3A_469 = arith.constant 0 : i32
      %dma_wait3A_470 = tpu.memref_slice %arg2[%add3A_442, %dma_wait3A_469] : memref<32768x1024xf32, #tpu.memory_space<hbm>> -> memref<24x1024xf32, #tpu.memory_space<hbm>>
      tpu.wait_dma2 semaphore(%arg20 : memref<!tpu.dma_semaphore, #tpu.memory_space<semaphore_mem>>) src(%dma_wait3A_470 : memref<24x1024xf32, #tpu.memory_space<hbm>>) dst(%arg10 : memref<24x1024xf32, #tpu.memory_space<vmem>>)
      %add3A_471 = arith.constant 528 : i32
      %add3A_472 = arith.addi %add3A_20, %add3A_471 : i32
      %dma_start3A_473 = arith.constant 0 : i32
      %dma_start3A_474 = tpu.memref_slice %arg4[%add3A_472, %dma_start3A_473] : memref<32768x1024xf32, #tpu.memory_space<hbm>> -> memref<24x1024xf32, #tpu.memory_space<hbm>>
      %dma_start3A_475 = arith.constant 0 : i32
      %dma_start3A_476 = tpu.memref_slice %arg4[%add3A_472, %dma_start3A_475] : memref<32768x1024xf32, #tpu.memory_space<hbm>> -> memref<24x1024xf32, #tpu.memory_space<hbm>>
      tpu.enqueue_dma source(%arg10 : memref<24x1024xf32, #tpu.memory_space<vmem>>) target(%dma_start3A_476 : memref<24x1024xf32, #tpu.memory_space<hbm>>) target_semaphore(%arg23 : memref<!tpu.dma_semaphore, #tpu.memory_space<semaphore_mem>>)
      %dma_wait3A_477 = arith.constant 0 : i32
      %dma_wait3A_478 = tpu.memref_slice %arg4[%add3A_452, %dma_wait3A_477] : memref<32768x1024xf32, #tpu.memory_space<hbm>> -> memref<24x1024xf32, #tpu.memory_space<hbm>>
      %dma_wait3A_479 = arith.constant 0 : i32
      %dma_wait3A_480 = tpu.memref_slice %arg4[%add3A_452, %dma_wait3A_479] : memref<32768x1024xf32, #tpu.memory_space<hbm>> -> memref<24x1024xf32, #tpu.memory_space<hbm>>
      tpu.wait_dma2 semaphore(%arg22 : memref<!tpu.dma_semaphore, #tpu.memory_space<semaphore_mem>>) src(%arg9 : memref<24x1024xf32, #tpu.memory_space<vmem>>) dst(%dma_wait3A_480 : memref<24x1024xf32, #tpu.memory_space<hbm>>)
      %add3A_481 = arith.constant 576 : i32
      %add3A_482 = arith.addi %add3A_20, %add3A_481 : i32
      %dma_start3A_483 = arith.constant 0 : i32
      %dma_start3A_484 = tpu.memref_slice %arg2[%add3A_482, %dma_start3A_483] : memref<32768x1024xf32, #tpu.memory_space<hbm>> -> memref<24x1024xf32, #tpu.memory_space<hbm>>
      %dma_start3A_485 = arith.constant 0 : i32
      %dma_start3A_486 = tpu.memref_slice %arg2[%add3A_482, %dma_start3A_485] : memref<32768x1024xf32, #tpu.memory_space<hbm>> -> memref<24x1024xf32, #tpu.memory_space<hbm>>
      tpu.enqueue_dma source(%dma_start3A_486 : memref<24x1024xf32, #tpu.memory_space<hbm>>) target(%arg9 : memref<24x1024xf32, #tpu.memory_space<vmem>>) target_semaphore(%arg19 : memref<!tpu.dma_semaphore, #tpu.memory_space<semaphore_mem>>)
      %dma_wait3A_487 = arith.constant 0 : i32
      %dma_wait3A_488 = tpu.memref_slice %arg2[%add3A_462, %dma_wait3A_487] : memref<32768x1024xf32, #tpu.memory_space<hbm>> -> memref<24x1024xf32, #tpu.memory_space<hbm>>
      %dma_wait3A_489 = arith.constant 0 : i32
      %dma_wait3A_490 = tpu.memref_slice %arg2[%add3A_462, %dma_wait3A_489] : memref<32768x1024xf32, #tpu.memory_space<hbm>> -> memref<24x1024xf32, #tpu.memory_space<hbm>>
      tpu.wait_dma2 semaphore(%arg21 : memref<!tpu.dma_semaphore, #tpu.memory_space<semaphore_mem>>) src(%dma_wait3A_490 : memref<24x1024xf32, #tpu.memory_space<hbm>>) dst(%arg11 : memref<24x1024xf32, #tpu.memory_space<vmem>>)
      %add3A_491 = arith.constant 552 : i32
      %add3A_492 = arith.addi %add3A_20, %add3A_491 : i32
      %dma_start3A_493 = arith.constant 0 : i32
      %dma_start3A_494 = tpu.memref_slice %arg4[%add3A_492, %dma_start3A_493] : memref<32768x1024xf32, #tpu.memory_space<hbm>> -> memref<24x1024xf32, #tpu.memory_space<hbm>>
      %dma_start3A_495 = arith.constant 0 : i32
      %dma_start3A_496 = tpu.memref_slice %arg4[%add3A_492, %dma_start3A_495] : memref<32768x1024xf32, #tpu.memory_space<hbm>> -> memref<24x1024xf32, #tpu.memory_space<hbm>>
      tpu.enqueue_dma source(%arg11 : memref<24x1024xf32, #tpu.memory_space<vmem>>) target(%dma_start3A_496 : memref<24x1024xf32, #tpu.memory_space<hbm>>) target_semaphore(%arg24 : memref<!tpu.dma_semaphore, #tpu.memory_space<semaphore_mem>>)
      %dma_wait3A_497 = arith.constant 0 : i32
      %dma_wait3A_498 = tpu.memref_slice %arg4[%add3A_472, %dma_wait3A_497] : memref<32768x1024xf32, #tpu.memory_space<hbm>> -> memref<24x1024xf32, #tpu.memory_space<hbm>>
      %dma_wait3A_499 = arith.constant 0 : i32
      %dma_wait3A_500 = tpu.memref_slice %arg4[%add3A_472, %dma_wait3A_499] : memref<32768x1024xf32, #tpu.memory_space<hbm>> -> memref<24x1024xf32, #tpu.memory_space<hbm>>
      tpu.wait_dma2 semaphore(%arg23 : memref<!tpu.dma_semaphore, #tpu.memory_space<semaphore_mem>>) src(%arg10 : memref<24x1024xf32, #tpu.memory_space<vmem>>) dst(%dma_wait3A_500 : memref<24x1024xf32, #tpu.memory_space<hbm>>)
      %add3A_501 = arith.constant 600 : i32
      %add3A_502 = arith.addi %add3A_20, %add3A_501 : i32
      %dma_start3A_503 = arith.constant 0 : i32
      %dma_start3A_504 = tpu.memref_slice %arg2[%add3A_502, %dma_start3A_503] : memref<32768x1024xf32, #tpu.memory_space<hbm>> -> memref<24x1024xf32, #tpu.memory_space<hbm>>
      %dma_start3A_505 = arith.constant 0 : i32
      %dma_start3A_506 = tpu.memref_slice %arg2[%add3A_502, %dma_start3A_505] : memref<32768x1024xf32, #tpu.memory_space<hbm>> -> memref<24x1024xf32, #tpu.memory_space<hbm>>
      tpu.enqueue_dma source(%dma_start3A_506 : memref<24x1024xf32, #tpu.memory_space<hbm>>) target(%arg10 : memref<24x1024xf32, #tpu.memory_space<vmem>>) target_semaphore(%arg20 : memref<!tpu.dma_semaphore, #tpu.memory_space<semaphore_mem>>)
      %dma_wait3A_507 = arith.constant 0 : i32
      %dma_wait3A_508 = tpu.memref_slice %arg2[%add3A_482, %dma_wait3A_507] : memref<32768x1024xf32, #tpu.memory_space<hbm>> -> memref<24x1024xf32, #tpu.memory_space<hbm>>
      %dma_wait3A_509 = arith.constant 0 : i32
      %dma_wait3A_510 = tpu.memref_slice %arg2[%add3A_482, %dma_wait3A_509] : memref<32768x1024xf32, #tpu.memory_space<hbm>> -> memref<24x1024xf32, #tpu.memory_space<hbm>>
      tpu.wait_dma2 semaphore(%arg19 : memref<!tpu.dma_semaphore, #tpu.memory_space<semaphore_mem>>) src(%dma_wait3A_510 : memref<24x1024xf32, #tpu.memory_space<hbm>>) dst(%arg9 : memref<24x1024xf32, #tpu.memory_space<vmem>>)
      %add3A_511 = arith.constant 576 : i32
      %add3A_512 = arith.addi %add3A_20, %add3A_511 : i32
      %dma_start3A_513 = arith.constant 0 : i32
      %dma_start3A_514 = tpu.memref_slice %arg4[%add3A_512, %dma_start3A_513] : memref<32768x1024xf32, #tpu.memory_space<hbm>> -> memref<24x1024xf32, #tpu.memory_space<hbm>>
      %dma_start3A_515 = arith.constant 0 : i32
      %dma_start3A_516 = tpu.memref_slice %arg4[%add3A_512, %dma_start3A_515] : memref<32768x1024xf32, #tpu.memory_space<hbm>> -> memref<24x1024xf32, #tpu.memory_space<hbm>>
      tpu.enqueue_dma source(%arg9 : memref<24x1024xf32, #tpu.memory_space<vmem>>) target(%dma_start3A_516 : memref<24x1024xf32, #tpu.memory_space<hbm>>) target_semaphore(%arg22 : memref<!tpu.dma_semaphore, #tpu.memory_space<semaphore_mem>>)
      %dma_wait3A_517 = arith.constant 0 : i32
      %dma_wait3A_518 = tpu.memref_slice %arg4[%add3A_492, %dma_wait3A_517] : memref<32768x1024xf32, #tpu.memory_space<hbm>> -> memref<24x1024xf32, #tpu.memory_space<hbm>>
      %dma_wait3A_519 = arith.constant 0 : i32
      %dma_wait3A_520 = tpu.memref_slice %arg4[%add3A_492, %dma_wait3A_519] : memref<32768x1024xf32, #tpu.memory_space<hbm>> -> memref<24x1024xf32, #tpu.memory_space<hbm>>
      tpu.wait_dma2 semaphore(%arg24 : memref<!tpu.dma_semaphore, #tpu.memory_space<semaphore_mem>>) src(%arg11 : memref<24x1024xf32, #tpu.memory_space<vmem>>) dst(%dma_wait3A_520 : memref<24x1024xf32, #tpu.memory_space<hbm>>)
      %add3A_521 = arith.constant 624 : i32
      %add3A_522 = arith.addi %add3A_20, %add3A_521 : i32
      %dma_start3A_523 = arith.constant 0 : i32
      %dma_start3A_524 = tpu.memref_slice %arg2[%add3A_522, %dma_start3A_523] : memref<32768x1024xf32, #tpu.memory_space<hbm>> -> memref<24x1024xf32, #tpu.memory_space<hbm>>
      %dma_start3A_525 = arith.constant 0 : i32
      %dma_start3A_526 = tpu.memref_slice %arg2[%add3A_522, %dma_start3A_525] : memref<32768x1024xf32, #tpu.memory_space<hbm>> -> memref<24x1024xf32, #tpu.memory_space<hbm>>
      tpu.enqueue_dma source(%dma_start3A_526 : memref<24x1024xf32, #tpu.memory_space<hbm>>) target(%arg11 : memref<24x1024xf32, #tpu.memory_space<vmem>>) target_semaphore(%arg21 : memref<!tpu.dma_semaphore, #tpu.memory_space<semaphore_mem>>)
      %dma_wait3A_527 = arith.constant 0 : i32
      %dma_wait3A_528 = tpu.memref_slice %arg2[%add3A_502, %dma_wait3A_527] : memref<32768x1024xf32, #tpu.memory_space<hbm>> -> memref<24x1024xf32, #tpu.memory_space<hbm>>
      %dma_wait3A_529 = arith.constant 0 : i32
      %dma_wait3A_530 = tpu.memref_slice %arg2[%add3A_502, %dma_wait3A_529] : memref<32768x1024xf32, #tpu.memory_space<hbm>> -> memref<24x1024xf32, #tpu.memory_space<hbm>>
      tpu.wait_dma2 semaphore(%arg20 : memref<!tpu.dma_semaphore, #tpu.memory_space<semaphore_mem>>) src(%dma_wait3A_530 : memref<24x1024xf32, #tpu.memory_space<hbm>>) dst(%arg10 : memref<24x1024xf32, #tpu.memory_space<vmem>>)
      %add3A_531 = arith.constant 600 : i32
      %add3A_532 = arith.addi %add3A_20, %add3A_531 : i32
      %dma_start3A_533 = arith.constant 0 : i32
      %dma_start3A_534 = tpu.memref_slice %arg4[%add3A_532, %dma_start3A_533] : memref<32768x1024xf32, #tpu.memory_space<hbm>> -> memref<24x1024xf32, #tpu.memory_space<hbm>>
      %dma_start3A_535 = arith.constant 0 : i32
      %dma_start3A_536 = tpu.memref_slice %arg4[%add3A_532, %dma_start3A_535] : memref<32768x1024xf32, #tpu.memory_space<hbm>> -> memref<24x1024xf32, #tpu.memory_space<hbm>>
      tpu.enqueue_dma source(%arg10 : memref<24x1024xf32, #tpu.memory_space<vmem>>) target(%dma_start3A_536 : memref<24x1024xf32, #tpu.memory_space<hbm>>) target_semaphore(%arg23 : memref<!tpu.dma_semaphore, #tpu.memory_space<semaphore_mem>>)
      %dma_wait3A_537 = arith.constant 0 : i32
      %dma_wait3A_538 = tpu.memref_slice %arg4[%add3A_512, %dma_wait3A_537] : memref<32768x1024xf32, #tpu.memory_space<hbm>> -> memref<24x1024xf32, #tpu.memory_space<hbm>>
      %dma_wait3A_539 = arith.constant 0 : i32
      %dma_wait3A_540 = tpu.memref_slice %arg4[%add3A_512, %dma_wait3A_539] : memref<32768x1024xf32, #tpu.memory_space<hbm>> -> memref<24x1024xf32, #tpu.memory_space<hbm>>
      tpu.wait_dma2 semaphore(%arg22 : memref<!tpu.dma_semaphore, #tpu.memory_space<semaphore_mem>>) src(%arg9 : memref<24x1024xf32, #tpu.memory_space<vmem>>) dst(%dma_wait3A_540 : memref<24x1024xf32, #tpu.memory_space<hbm>>)
      %add3A_541 = arith.constant 648 : i32
      %add3A_542 = arith.addi %add3A_20, %add3A_541 : i32
      %dma_start3A_543 = arith.constant 0 : i32
      %dma_start3A_544 = tpu.memref_slice %arg2[%add3A_542, %dma_start3A_543] : memref<32768x1024xf32, #tpu.memory_space<hbm>> -> memref<24x1024xf32, #tpu.memory_space<hbm>>
      %dma_start3A_545 = arith.constant 0 : i32
      %dma_start3A_546 = tpu.memref_slice %arg2[%add3A_542, %dma_start3A_545] : memref<32768x1024xf32, #tpu.memory_space<hbm>> -> memref<24x1024xf32, #tpu.memory_space<hbm>>
      tpu.enqueue_dma source(%dma_start3A_546 : memref<24x1024xf32, #tpu.memory_space<hbm>>) target(%arg9 : memref<24x1024xf32, #tpu.memory_space<vmem>>) target_semaphore(%arg19 : memref<!tpu.dma_semaphore, #tpu.memory_space<semaphore_mem>>)
      %dma_wait3A_547 = arith.constant 0 : i32
      %dma_wait3A_548 = tpu.memref_slice %arg2[%add3A_522, %dma_wait3A_547] : memref<32768x1024xf32, #tpu.memory_space<hbm>> -> memref<24x1024xf32, #tpu.memory_space<hbm>>
      %dma_wait3A_549 = arith.constant 0 : i32
      %dma_wait3A_550 = tpu.memref_slice %arg2[%add3A_522, %dma_wait3A_549] : memref<32768x1024xf32, #tpu.memory_space<hbm>> -> memref<24x1024xf32, #tpu.memory_space<hbm>>
      tpu.wait_dma2 semaphore(%arg21 : memref<!tpu.dma_semaphore, #tpu.memory_space<semaphore_mem>>) src(%dma_wait3A_550 : memref<24x1024xf32, #tpu.memory_space<hbm>>) dst(%arg11 : memref<24x1024xf32, #tpu.memory_space<vmem>>)
      %add3A_551 = arith.constant 624 : i32
      %add3A_552 = arith.addi %add3A_20, %add3A_551 : i32
      %dma_start3A_553 = arith.constant 0 : i32
      %dma_start3A_554 = tpu.memref_slice %arg4[%add3A_552, %dma_start3A_553] : memref<32768x1024xf32, #tpu.memory_space<hbm>> -> memref<24x1024xf32, #tpu.memory_space<hbm>>
      %dma_start3A_555 = arith.constant 0 : i32
      %dma_start3A_556 = tpu.memref_slice %arg4[%add3A_552, %dma_start3A_555] : memref<32768x1024xf32, #tpu.memory_space<hbm>> -> memref<24x1024xf32, #tpu.memory_space<hbm>>
      tpu.enqueue_dma source(%arg11 : memref<24x1024xf32, #tpu.memory_space<vmem>>) target(%dma_start3A_556 : memref<24x1024xf32, #tpu.memory_space<hbm>>) target_semaphore(%arg24 : memref<!tpu.dma_semaphore, #tpu.memory_space<semaphore_mem>>)
      %dma_wait3A_557 = arith.constant 0 : i32
      %dma_wait3A_558 = tpu.memref_slice %arg4[%add3A_532, %dma_wait3A_557] : memref<32768x1024xf32, #tpu.memory_space<hbm>> -> memref<24x1024xf32, #tpu.memory_space<hbm>>
      %dma_wait3A_559 = arith.constant 0 : i32
      %dma_wait3A_560 = tpu.memref_slice %arg4[%add3A_532, %dma_wait3A_559] : memref<32768x1024xf32, #tpu.memory_space<hbm>> -> memref<24x1024xf32, #tpu.memory_space<hbm>>
      tpu.wait_dma2 semaphore(%arg23 : memref<!tpu.dma_semaphore, #tpu.memory_space<semaphore_mem>>) src(%arg10 : memref<24x1024xf32, #tpu.memory_space<vmem>>) dst(%dma_wait3A_560 : memref<24x1024xf32, #tpu.memory_space<hbm>>)
      %add3A_561 = arith.constant 672 : i32
      %add3A_562 = arith.addi %add3A_20, %add3A_561 : i32
      %dma_start3A_563 = arith.constant 0 : i32
      %dma_start3A_564 = tpu.memref_slice %arg2[%add3A_562, %dma_start3A_563] : memref<32768x1024xf32, #tpu.memory_space<hbm>> -> memref<24x1024xf32, #tpu.memory_space<hbm>>
      %dma_start3A_565 = arith.constant 0 : i32
      %dma_start3A_566 = tpu.memref_slice %arg2[%add3A_562, %dma_start3A_565] : memref<32768x1024xf32, #tpu.memory_space<hbm>> -> memref<24x1024xf32, #tpu.memory_space<hbm>>
      tpu.enqueue_dma source(%dma_start3A_566 : memref<24x1024xf32, #tpu.memory_space<hbm>>) target(%arg10 : memref<24x1024xf32, #tpu.memory_space<vmem>>) target_semaphore(%arg20 : memref<!tpu.dma_semaphore, #tpu.memory_space<semaphore_mem>>)
      %dma_wait3A_567 = arith.constant 0 : i32
      %dma_wait3A_568 = tpu.memref_slice %arg2[%add3A_542, %dma_wait3A_567] : memref<32768x1024xf32, #tpu.memory_space<hbm>> -> memref<24x1024xf32, #tpu.memory_space<hbm>>
      %dma_wait3A_569 = arith.constant 0 : i32
      %dma_wait3A_570 = tpu.memref_slice %arg2[%add3A_542, %dma_wait3A_569] : memref<32768x1024xf32, #tpu.memory_space<hbm>> -> memref<24x1024xf32, #tpu.memory_space<hbm>>
      tpu.wait_dma2 semaphore(%arg19 : memref<!tpu.dma_semaphore, #tpu.memory_space<semaphore_mem>>) src(%dma_wait3A_570 : memref<24x1024xf32, #tpu.memory_space<hbm>>) dst(%arg9 : memref<24x1024xf32, #tpu.memory_space<vmem>>)
      %add3A_571 = arith.constant 648 : i32
      %add3A_572 = arith.addi %add3A_20, %add3A_571 : i32
      %dma_start3A_573 = arith.constant 0 : i32
      %dma_start3A_574 = tpu.memref_slice %arg4[%add3A_572, %dma_start3A_573] : memref<32768x1024xf32, #tpu.memory_space<hbm>> -> memref<24x1024xf32, #tpu.memory_space<hbm>>
      %dma_start3A_575 = arith.constant 0 : i32
      %dma_start3A_576 = tpu.memref_slice %arg4[%add3A_572, %dma_start3A_575] : memref<32768x1024xf32, #tpu.memory_space<hbm>> -> memref<24x1024xf32, #tpu.memory_space<hbm>>
      tpu.enqueue_dma source(%arg9 : memref<24x1024xf32, #tpu.memory_space<vmem>>) target(%dma_start3A_576 : memref<24x1024xf32, #tpu.memory_space<hbm>>) target_semaphore(%arg22 : memref<!tpu.dma_semaphore, #tpu.memory_space<semaphore_mem>>)
      %dma_wait3A_577 = arith.constant 0 : i32
      %dma_wait3A_578 = tpu.memref_slice %arg4[%add3A_552, %dma_wait3A_577] : memref<32768x1024xf32, #tpu.memory_space<hbm>> -> memref<24x1024xf32, #tpu.memory_space<hbm>>
      %dma_wait3A_579 = arith.constant 0 : i32
      %dma_wait3A_580 = tpu.memref_slice %arg4[%add3A_552, %dma_wait3A_579] : memref<32768x1024xf32, #tpu.memory_space<hbm>> -> memref<24x1024xf32, #tpu.memory_space<hbm>>
      tpu.wait_dma2 semaphore(%arg24 : memref<!tpu.dma_semaphore, #tpu.memory_space<semaphore_mem>>) src(%arg11 : memref<24x1024xf32, #tpu.memory_space<vmem>>) dst(%dma_wait3A_580 : memref<24x1024xf32, #tpu.memory_space<hbm>>)
      %add3A_581 = arith.constant 696 : i32
      %add3A_582 = arith.addi %add3A_20, %add3A_581 : i32
      %dma_start3A_583 = arith.constant 0 : i32
      %dma_start3A_584 = tpu.memref_slice %arg2[%add3A_582, %dma_start3A_583] : memref<32768x1024xf32, #tpu.memory_space<hbm>> -> memref<24x1024xf32, #tpu.memory_space<hbm>>
      %dma_start3A_585 = arith.constant 0 : i32
      %dma_start3A_586 = tpu.memref_slice %arg2[%add3A_582, %dma_start3A_585] : memref<32768x1024xf32, #tpu.memory_space<hbm>> -> memref<24x1024xf32, #tpu.memory_space<hbm>>
      tpu.enqueue_dma source(%dma_start3A_586 : memref<24x1024xf32, #tpu.memory_space<hbm>>) target(%arg11 : memref<24x1024xf32, #tpu.memory_space<vmem>>) target_semaphore(%arg21 : memref<!tpu.dma_semaphore, #tpu.memory_space<semaphore_mem>>)
      %dma_wait3A_587 = arith.constant 0 : i32
      %dma_wait3A_588 = tpu.memref_slice %arg2[%add3A_562, %dma_wait3A_587] : memref<32768x1024xf32, #tpu.memory_space<hbm>> -> memref<24x1024xf32, #tpu.memory_space<hbm>>
      %dma_wait3A_589 = arith.constant 0 : i32
      %dma_wait3A_590 = tpu.memref_slice %arg2[%add3A_562, %dma_wait3A_589] : memref<32768x1024xf32, #tpu.memory_space<hbm>> -> memref<24x1024xf32, #tpu.memory_space<hbm>>
      tpu.wait_dma2 semaphore(%arg20 : memref<!tpu.dma_semaphore, #tpu.memory_space<semaphore_mem>>) src(%dma_wait3A_590 : memref<24x1024xf32, #tpu.memory_space<hbm>>) dst(%arg10 : memref<24x1024xf32, #tpu.memory_space<vmem>>)
      %add3A_591 = arith.constant 672 : i32
      %add3A_592 = arith.addi %add3A_20, %add3A_591 : i32
      %dma_start3A_593 = arith.constant 0 : i32
      %dma_start3A_594 = tpu.memref_slice %arg4[%add3A_592, %dma_start3A_593] : memref<32768x1024xf32, #tpu.memory_space<hbm>> -> memref<24x1024xf32, #tpu.memory_space<hbm>>
      %dma_start3A_595 = arith.constant 0 : i32
      %dma_start3A_596 = tpu.memref_slice %arg4[%add3A_592, %dma_start3A_595] : memref<32768x1024xf32, #tpu.memory_space<hbm>> -> memref<24x1024xf32, #tpu.memory_space<hbm>>
      tpu.enqueue_dma source(%arg10 : memref<24x1024xf32, #tpu.memory_space<vmem>>) target(%dma_start3A_596 : memref<24x1024xf32, #tpu.memory_space<hbm>>) target_semaphore(%arg23 : memref<!tpu.dma_semaphore, #tpu.memory_space<semaphore_mem>>)
      %dma_wait3A_597 = arith.constant 0 : i32
      %dma_wait3A_598 = tpu.memref_slice %arg4[%add3A_572, %dma_wait3A_597] : memref<32768x1024xf32, #tpu.memory_space<hbm>> -> memref<24x1024xf32, #tpu.memory_space<hbm>>
      %dma_wait3A_599 = arith.constant 0 : i32
      %dma_wait3A_600 = tpu.memref_slice %arg4[%add3A_572, %dma_wait3A_599] : memref<32768x1024xf32, #tpu.memory_space<hbm>> -> memref<24x1024xf32, #tpu.memory_space<hbm>>
      tpu.wait_dma2 semaphore(%arg22 : memref<!tpu.dma_semaphore, #tpu.memory_space<semaphore_mem>>) src(%arg9 : memref<24x1024xf32, #tpu.memory_space<vmem>>) dst(%dma_wait3A_600 : memref<24x1024xf32, #tpu.memory_space<hbm>>)
      %add3A_601 = arith.constant 720 : i32
      %add3A_602 = arith.addi %add3A_20, %add3A_601 : i32
      %dma_start3A_603 = arith.constant 0 : i32
      %dma_start3A_604 = tpu.memref_slice %arg2[%add3A_602, %dma_start3A_603] : memref<32768x1024xf32, #tpu.memory_space<hbm>> -> memref<24x1024xf32, #tpu.memory_space<hbm>>
      %dma_start3A_605 = arith.constant 0 : i32
      %dma_start3A_606 = tpu.memref_slice %arg2[%add3A_602, %dma_start3A_605] : memref<32768x1024xf32, #tpu.memory_space<hbm>> -> memref<24x1024xf32, #tpu.memory_space<hbm>>
      tpu.enqueue_dma source(%dma_start3A_606 : memref<24x1024xf32, #tpu.memory_space<hbm>>) target(%arg9 : memref<24x1024xf32, #tpu.memory_space<vmem>>) target_semaphore(%arg19 : memref<!tpu.dma_semaphore, #tpu.memory_space<semaphore_mem>>)
      %dma_wait3A_607 = arith.constant 0 : i32
      %dma_wait3A_608 = tpu.memref_slice %arg2[%add3A_582, %dma_wait3A_607] : memref<32768x1024xf32, #tpu.memory_space<hbm>> -> memref<24x1024xf32, #tpu.memory_space<hbm>>
      %dma_wait3A_609 = arith.constant 0 : i32
      %dma_wait3A_610 = tpu.memref_slice %arg2[%add3A_582, %dma_wait3A_609] : memref<32768x1024xf32, #tpu.memory_space<hbm>> -> memref<24x1024xf32, #tpu.memory_space<hbm>>
      tpu.wait_dma2 semaphore(%arg21 : memref<!tpu.dma_semaphore, #tpu.memory_space<semaphore_mem>>) src(%dma_wait3A_610 : memref<24x1024xf32, #tpu.memory_space<hbm>>) dst(%arg11 : memref<24x1024xf32, #tpu.memory_space<vmem>>)
      %add3A_611 = arith.constant 696 : i32
      %add3A_612 = arith.addi %add3A_20, %add3A_611 : i32
      %dma_start3A_613 = arith.constant 0 : i32
      %dma_start3A_614 = tpu.memref_slice %arg4[%add3A_612, %dma_start3A_613] : memref<32768x1024xf32, #tpu.memory_space<hbm>> -> memref<24x1024xf32, #tpu.memory_space<hbm>>
      %dma_start3A_615 = arith.constant 0 : i32
      %dma_start3A_616 = tpu.memref_slice %arg4[%add3A_612, %dma_start3A_615] : memref<32768x1024xf32, #tpu.memory_space<hbm>> -> memref<24x1024xf32, #tpu.memory_space<hbm>>
      tpu.enqueue_dma source(%arg11 : memref<24x1024xf32, #tpu.memory_space<vmem>>) target(%dma_start3A_616 : memref<24x1024xf32, #tpu.memory_space<hbm>>) target_semaphore(%arg24 : memref<!tpu.dma_semaphore, #tpu.memory_space<semaphore_mem>>)
      %dma_wait3A_617 = arith.constant 0 : i32
      %dma_wait3A_618 = tpu.memref_slice %arg4[%add3A_592, %dma_wait3A_617] : memref<32768x1024xf32, #tpu.memory_space<hbm>> -> memref<24x1024xf32, #tpu.memory_space<hbm>>
      %dma_wait3A_619 = arith.constant 0 : i32
      %dma_wait3A_620 = tpu.memref_slice %arg4[%add3A_592, %dma_wait3A_619] : memref<32768x1024xf32, #tpu.memory_space<hbm>> -> memref<24x1024xf32, #tpu.memory_space<hbm>>
      tpu.wait_dma2 semaphore(%arg23 : memref<!tpu.dma_semaphore, #tpu.memory_space<semaphore_mem>>) src(%arg10 : memref<24x1024xf32, #tpu.memory_space<vmem>>) dst(%dma_wait3A_620 : memref<24x1024xf32, #tpu.memory_space<hbm>>)
      %add3A_621 = arith.constant 744 : i32
      %add3A_622 = arith.addi %add3A_20, %add3A_621 : i32
      %dma_start3A_623 = arith.constant 0 : i32
      %dma_start3A_624 = tpu.memref_slice %arg2[%add3A_622, %dma_start3A_623] : memref<32768x1024xf32, #tpu.memory_space<hbm>> -> memref<24x1024xf32, #tpu.memory_space<hbm>>
      %dma_start3A_625 = arith.constant 0 : i32
      %dma_start3A_626 = tpu.memref_slice %arg2[%add3A_622, %dma_start3A_625] : memref<32768x1024xf32, #tpu.memory_space<hbm>> -> memref<24x1024xf32, #tpu.memory_space<hbm>>
      tpu.enqueue_dma source(%dma_start3A_626 : memref<24x1024xf32, #tpu.memory_space<hbm>>) target(%arg10 : memref<24x1024xf32, #tpu.memory_space<vmem>>) target_semaphore(%arg20 : memref<!tpu.dma_semaphore, #tpu.memory_space<semaphore_mem>>)
      %dma_wait3A_627 = arith.constant 0 : i32
      %dma_wait3A_628 = tpu.memref_slice %arg2[%add3A_602, %dma_wait3A_627] : memref<32768x1024xf32, #tpu.memory_space<hbm>> -> memref<24x1024xf32, #tpu.memory_space<hbm>>
      %dma_wait3A_629 = arith.constant 0 : i32
      %dma_wait3A_630 = tpu.memref_slice %arg2[%add3A_602, %dma_wait3A_629] : memref<32768x1024xf32, #tpu.memory_space<hbm>> -> memref<24x1024xf32, #tpu.memory_space<hbm>>
      tpu.wait_dma2 semaphore(%arg19 : memref<!tpu.dma_semaphore, #tpu.memory_space<semaphore_mem>>) src(%dma_wait3A_630 : memref<24x1024xf32, #tpu.memory_space<hbm>>) dst(%arg9 : memref<24x1024xf32, #tpu.memory_space<vmem>>)
      %add3A_631 = arith.constant 720 : i32
      %add3A_632 = arith.addi %add3A_20, %add3A_631 : i32
      %dma_start3A_633 = arith.constant 0 : i32
      %dma_start3A_634 = tpu.memref_slice %arg4[%add3A_632, %dma_start3A_633] : memref<32768x1024xf32, #tpu.memory_space<hbm>> -> memref<24x1024xf32, #tpu.memory_space<hbm>>
      %dma_start3A_635 = arith.constant 0 : i32
      %dma_start3A_636 = tpu.memref_slice %arg4[%add3A_632, %dma_start3A_635] : memref<32768x1024xf32, #tpu.memory_space<hbm>> -> memref<24x1024xf32, #tpu.memory_space<hbm>>
      tpu.enqueue_dma source(%arg9 : memref<24x1024xf32, #tpu.memory_space<vmem>>) target(%dma_start3A_636 : memref<24x1024xf32, #tpu.memory_space<hbm>>) target_semaphore(%arg22 : memref<!tpu.dma_semaphore, #tpu.memory_space<semaphore_mem>>)
      %dma_wait3A_637 = arith.constant 0 : i32
      %dma_wait3A_638 = tpu.memref_slice %arg2[%add3A_622, %dma_wait3A_637] : memref<32768x1024xf32, #tpu.memory_space<hbm>> -> memref<24x1024xf32, #tpu.memory_space<hbm>>
      %dma_wait3A_639 = arith.constant 0 : i32
      %dma_wait3A_640 = tpu.memref_slice %arg2[%add3A_622, %dma_wait3A_639] : memref<32768x1024xf32, #tpu.memory_space<hbm>> -> memref<24x1024xf32, #tpu.memory_space<hbm>>
      tpu.wait_dma2 semaphore(%arg20 : memref<!tpu.dma_semaphore, #tpu.memory_space<semaphore_mem>>) src(%dma_wait3A_640 : memref<24x1024xf32, #tpu.memory_space<hbm>>) dst(%arg10 : memref<24x1024xf32, #tpu.memory_space<vmem>>)
      %add3A_641 = arith.constant 744 : i32
      %add3A_642 = arith.addi %add3A_20, %add3A_641 : i32
      %dma_start3A_643 = arith.constant 0 : i32
      %dma_start3A_644 = tpu.memref_slice %arg4[%add3A_642, %dma_start3A_643] : memref<32768x1024xf32, #tpu.memory_space<hbm>> -> memref<24x1024xf32, #tpu.memory_space<hbm>>
      %dma_start3A_645 = arith.constant 0 : i32
      %dma_start3A_646 = tpu.memref_slice %arg4[%add3A_642, %dma_start3A_645] : memref<32768x1024xf32, #tpu.memory_space<hbm>> -> memref<24x1024xf32, #tpu.memory_space<hbm>>
      tpu.enqueue_dma source(%arg10 : memref<24x1024xf32, #tpu.memory_space<vmem>>) target(%dma_start3A_646 : memref<24x1024xf32, #tpu.memory_space<hbm>>) target_semaphore(%arg23 : memref<!tpu.dma_semaphore, #tpu.memory_space<semaphore_mem>>)
      %dma_wait3A_647 = arith.constant 0 : i32
      %dma_wait3A_648 = tpu.memref_slice %arg4[%add3A_612, %dma_wait3A_647] : memref<32768x1024xf32, #tpu.memory_space<hbm>> -> memref<24x1024xf32, #tpu.memory_space<hbm>>
      %dma_wait3A_649 = arith.constant 0 : i32
      %dma_wait3A_650 = tpu.memref_slice %arg4[%add3A_612, %dma_wait3A_649] : memref<32768x1024xf32, #tpu.memory_space<hbm>> -> memref<24x1024xf32, #tpu.memory_space<hbm>>
      tpu.wait_dma2 semaphore(%arg24 : memref<!tpu.dma_semaphore, #tpu.memory_space<semaphore_mem>>) src(%arg11 : memref<24x1024xf32, #tpu.memory_space<vmem>>) dst(%dma_wait3A_650 : memref<24x1024xf32, #tpu.memory_space<hbm>>)
      %dma_wait3A_651 = arith.constant 0 : i32
      %dma_wait3A_652 = tpu.memref_slice %arg4[%add3A_632, %dma_wait3A_651] : memref<32768x1024xf32, #tpu.memory_space<hbm>> -> memref<24x1024xf32, #tpu.memory_space<hbm>>
      %dma_wait3A_653 = arith.constant 0 : i32
      %dma_wait3A_654 = tpu.memref_slice %arg4[%add3A_632, %dma_wait3A_653] : memref<32768x1024xf32, #tpu.memory_space<hbm>> -> memref<24x1024xf32, #tpu.memory_space<hbm>>
      tpu.wait_dma2 semaphore(%arg22 : memref<!tpu.dma_semaphore, #tpu.memory_space<semaphore_mem>>) src(%arg9 : memref<24x1024xf32, #tpu.memory_space<vmem>>) dst(%dma_wait3A_654 : memref<24x1024xf32, #tpu.memory_space<hbm>>)
      %dma_wait3A_655 = arith.constant 0 : i32
      %dma_wait3A_656 = tpu.memref_slice %arg4[%add3A_642, %dma_wait3A_655] : memref<32768x1024xf32, #tpu.memory_space<hbm>> -> memref<24x1024xf32, #tpu.memory_space<hbm>>
      %dma_wait3A_657 = arith.constant 0 : i32
      %dma_wait3A_658 = tpu.memref_slice %arg4[%add3A_642, %dma_wait3A_657] : memref<32768x1024xf32, #tpu.memory_space<hbm>> -> memref<24x1024xf32, #tpu.memory_space<hbm>>
      tpu.wait_dma2 semaphore(%arg23 : memref<!tpu.dma_semaphore, #tpu.memory_space<semaphore_mem>>) src(%arg10 : memref<24x1024xf32, #tpu.memory_space<vmem>>) dst(%dma_wait3A_658 : memref<24x1024xf32, #tpu.memory_space<hbm>>)
    } else {
    }
    %eq3A_7 = arith.constant 0 : i32
    %eq3A_8 = arith.cmpi eq, %arg1, %eq3A_7 : i32
    %eq3A_9 = arith.constant 0 : i32
    %eq3A_10 = arith.cmpi eq, %arg0, %eq3A_9 : i32
    %and3A = arith.andi %eq3A_8, %eq3A_10 : i1
    %convert_element_type3A_11 = arith.extui %and3A : i1 to i32
    %cond3A_12 = arith.constant 0 : i32
    %cond3A_13 = arith.cmpi ne, %convert_element_type3A_11, %cond3A_12 : i32
    scf.if %cond3A_13 {
      "tpu.region"() ({
        %run_scoped3A = tpu.sem_alloc : memref<!tpu.dma_semaphore, #tpu.memory_space<semaphore_mem>>
        tpu.enqueue_dma source(%arg3 : memref<16xi32, #tpu.memory_space<hbm>>) target(%arg12 : memref<16xi32, #tpu.memory_space<vmem>>) target_semaphore(%run_scoped3A : memref<!tpu.dma_semaphore, #tpu.memory_space<semaphore_mem>>)
        tpu.wait_dma2 semaphore(%run_scoped3A : memref<!tpu.dma_semaphore, #tpu.memory_space<semaphore_mem>>) src(%arg3 : memref<16xi32, #tpu.memory_space<hbm>>) dst(%arg12 : memref<16xi32, #tpu.memory_space<vmem>>)
        tpu.yield
      }) : () -> ()
      "tpu.region"() ({
        %run_scoped3A = tpu.sem_alloc : memref<!tpu.dma_semaphore, #tpu.memory_space<semaphore_mem>>
        tpu.enqueue_dma source(%arg12 : memref<16xi32, #tpu.memory_space<vmem>>) target(%arg5 : memref<16xi32, #tpu.memory_space<hbm>>) target_semaphore(%run_scoped3A : memref<!tpu.dma_semaphore, #tpu.memory_space<semaphore_mem>>)
        tpu.wait_dma2 semaphore(%run_scoped3A : memref<!tpu.dma_semaphore, #tpu.memory_space<semaphore_mem>>) src(%arg12 : memref<16xi32, #tpu.memory_space<vmem>>) dst(%arg5 : memref<16xi32, #tpu.memory_space<hbm>>)
        tpu.yield
      }) : () -> ()
    } else {
    }
    return
  }
}

</mosaic_0001>

<sc_bundles>
// kernel: kernel.3.cloned.1.call-start
scs
__scs_entry_jumppad:
0x0: {  	(pc) =	sbr.rel $0x88, $3  }
0x1: {  	(tag) =	ssettag $0x0;
	lr =	simm.s32 $0x1  }
0x2: {  	[smem:$0x3F9F] =	sst lr;
	_ =	strace $0xD0000000  }
0x3: {  	_ = 	snop  }
0x4: {  	_ = 	snop  }
0x5: {  	_ = 	snop  }
0x6: {  	_ = 	snop  }
0x7: {  	_ = 	snop  }
__scs_overlays_trampoline_lowered:
0x8: {  	[smem:$0x3FAE] =	sst s0  }
0x9: {  	[smem:$0x3FAF] =	sst s1  }
0xa: {  	[smem:$0x3FB0] =	sst s2  }
0xb: {  	[smem:$0x3FB1] =	sst s3  }
0xc: {  	[smem:$0x3FB2] =	sst s4  }
0xd: {  	[smem:$0x3FB3] =	sst s5  }
0xe: {  	[smem:$0x3FB4] =	sst s6  }
0xf: {  	[smem:$0x3FB5] =	sst s7  }
0x10: {  	[smem:$0x3FB6] =	sst s8  }
0x11: {  	[smem:$0x3FB7] =	sst s9;
	s0 =	simm.s32 @!p0 $0x0  }
0x12: {  	s1 =	sld [smem:$0x3F9D];
	s0 =	simm.s32 @p0 $0x1  }
0x13: {  	[smem:$0x3FB8] =	sst s0;
	s0 =	simm.s32 @!p1 $0x0  }
0x14: {  	s2 =	sld [smem:$0x3F9C];
	s0 =	simm.s32 @p1 $0x1  }
0x15: {  	[smem:$0x3FB9] =	sst s0;
	s0 =	simm.s32 @!p2 $0x0  }
0x16: {  	s3 =	sld [smem:$0x3FDB];
	s0 =	simm.s32 @p2 $0x1  }
0x17: {  	s4 =	simm.s32 $0x1BF5;
	[smem:$0x3FBB] =	sst s0  }
0x18: {  	s0 =	sld [smem:$0x3F9E];
	_ =	swait.ge [sflag:s4], $0x0  }
0x19: {  	s7 =	sld [smem:$0x3F9F]  }
0x1a: {  	s8 =	sadd.s32 $0xFFFFE003, lr  }
0x1b: {  	s9 =	sadd.s32 $0xFFFFFEF7, lr;
	s5 =	simm.s32 $0xFFFFFFFF;
	p2 =	slt.u32 s8, $0xFFFFF086  }
0x1c: {  	p1 =	slt.u32 s9, $0xF7A;
	s5 =	simm.s32 @!p2 $0x0  }
0x1d: {  	s5 =	simm.s32 @p1 $0x1;
	p0 =	seq.s32 s7, s2  }
0x1e: {  	s7 =	smul.u32 @!p0 $0xF7A, s2;
	p2 =	seq.s32 @!p0 s5, $0x0  }
0x1f: {  	s9 =	smul.u32 $0xF7A, s1;
	s8 =	simm.s32 @!p0 $0x1BF5;
	p2 =	por !p2, p0  }
0x20: {  	[sflag:s8] =	ssyncset.s32 @!p0 $0xFFFFF086;
	s6 =	sadd.s32 @!p0 s3, s7;
	s7 =	simm.s32 @!p0 $0x108  }
0x21: {  	s3 =	sadd.s32 s3, s9;
	s6 =	sadd.s32 @!p0 $0x88, s6;
	s7 =	simm.s32 @p2 $0x1082  }
0x22: {  	[simem:s7], [sflag:s8] =	dma.local @!p0 [hbm:s6], $0xF7A  }
0x23: {  	s9 =	sor.u32 $0xD0000000, s2;
	s6 =	simm.s32 $0x108;
	_ =	swait.ge @!p0 [sflag:s8], $0x0  }
0x24: {  	s3 =	sadd.s32 $0x88, s3;
	s6 =	simm.s32 @!p1 $0x1082;
	[sflag:s4] =	ssyncset.s32 $0xFFFFF086  }
0x25: {  	[simem:s6], [sflag:s4] =	dma.local [hbm:s3], $0xF7A  }
0x26: {  	[smem:$0x3F9F] =	sst s1;
	(tag) =	ssettag s2;
	_ =	strace s9  }
0x27: {  	s1 =	sld [smem:$0x3FAF]  }
0x28: {  	s2 =	sld [smem:$0x3FB0]  }
0x29: {  	s4 =	sld [smem:$0x3FB2]  }
0x2a: {  	p0 =	seq.s32 s5, $0x0;
	s5 =	sld [smem:$0x3FB3]  }
0x2b: {  	s6 =	sld [smem:$0x3FB4]  }
0x2c: {  	s7 =	sld [smem:$0x3FB5]  }
0x2d: {  	s3 =	simm.s32 $0x108;
	s8 =	sld [smem:$0x3FB6]  }
0x2e: {  	s3 =	simm.s32 @!p0 $0x1082;
	s9 =	sld [smem:$0x3FB7]  }
0x2f: {  	lr =	sadd.s32 s0, s3;
	s0 =	sld [smem:$0x3FAE]  }
0x30: {  	s3 =	sld [smem:$0x3FB1]  }
0x31: {  	[smem:$0x3FBA] =	sst s10  }
0x32: {  	s10 =	sld [smem:$0x3FB8];
	_ =	sdelay $0x3  }
0x33: {  	p0 =	seq.s32 s10, $0x1;
	s10 =	sld [smem:$0x3FBA];
	_ =	sdelay $0x3  }
0x34: {  	[smem:$0x3FBA] =	sst s10  }
0x35: {  	s10 =	sld [smem:$0x3FB9];
	_ =	sdelay $0x3  }
0x36: {  	p1 =	seq.s32 s10, $0x1;
	s10 =	sld [smem:$0x3FBA];
	_ =	sdelay $0x3  }
0x37: {  	[smem:$0x3FBA] =	sst s10  }
0x38: {  	s10 =	sld [smem:$0x3FBB]  }
0x39: {  	_ = 	snop;
	(pc) =	sbr.ind lr, $3  }
0x3a: {  	_ = 	snop  }
0x3b: {  	_ = 	snop  }
0x3c: {  	p2 =	seq.s32 s10, $0x1;
	s10 =	sld [smem:$0x3FBA]  }
0x3d: {  	_ =	shalt  }
0x3e: {  	_ =	shalt  }
0x3f: {  	_ =	shalt  }
0x40: {  	_ =	shalt  }
0x41: {  	_ =	shalt  }
0x42: {  	_ =	shalt  }
0x43: {  	_ =	shalt  }
0x44: {  	_ =	shalt  }
0x45: {  	_ =	shalt  }
0x46: {  	_ =	shalt  }
0x47: {  	_ =	shalt  }
0x48: {  	_ =	shalt  }
0x49: {  	_ =	shalt  }
0x4a: {  	_ =	shalt  }
0x4b: {  	_ =	shalt  }
0x4c: {  	_ =	shalt  }
0x4d: {  	_ =	shalt  }
0x4e: {  	_ =	shalt  }
0x4f: {  	_ =	shalt  }
0x50: {  	_ =	shalt  }
0x51: {  	_ =	shalt  }
0x52: {  	_ =	shalt  }
0x53: {  	_ =	shalt  }
0x54: {  	_ =	shalt  }
0x55: {  	_ =	shalt  }
0x56: {  	_ =	shalt  }
0x57: {  	_ =	shalt  }
0x58: {  	_ =	shalt  }
0x59: {  	_ =	shalt  }
0x5a: {  	_ =	shalt  }
0x5b: {  	_ =	shalt  }
0x5c: {  	_ =	shalt  }
0x5d: {  	_ =	shalt  }
0x5e: {  	_ =	shalt  }
0x5f: {  	_ =	shalt  }
0x60: {  	_ =	shalt  }
0x61: {  	_ =	shalt  }
0x62: {  	_ =	shalt  }
0x63: {  	_ =	shalt  }
0x64: {  	_ =	shalt  }
0x65: {  	_ =	shalt  }
0x66: {  	_ =	shalt  }
0x67: {  	_ =	shalt  }
0x68: {  	_ =	shalt  }
0x69: {  	_ =	shalt  }
0x6a: {  	_ =	shalt  }
0x6b: {  	_ =	shalt  }
0x6c: {  	_ =	shalt  }
0x6d: {  	_ =	shalt  }
0x6e: {  	_ =	shalt  }
0x6f: {  	_ =	shalt  }
0x70: {  	_ =	shalt  }
0x71: {  	_ =	shalt  }
0x72: {  	_ =	shalt  }
0x73: {  	_ =	shalt  }
0x74: {  	_ =	shalt  }
0x75: {  	_ =	shalt  }
0x76: {  	_ =	shalt  }
0x77: {  	_ =	shalt  }
0x78: {  	_ =	shalt  }
0x79: {  	_ =	shalt  }
0x7a: {  	_ =	shalt  }
0x7b: {  	_ =	shalt  }
0x7c: {  	_ =	shalt  }
0x7d: {  	_ =	shalt  }
0x7e: {  	_ =	shalt  }
0x7f: {  	_ =	shalt  }
0x80: {  	_ =	shalt  }
0x81: {  	_ =	shalt  }
0x82: {  	_ =	shalt  }
0x83: {  	_ =	shalt  }
0x84: {  	_ =	shalt  }
0x85: {  	_ =	shalt  }
0x86: {  	_ =	shalt  }
0x87: {  	_ =	shalt  }
.Lfunc_end0:
.L_simem_size_0:
called_computation_lowered:
.L_overlay_start_0:
0x88: {  	s2 =	sld [smem:$0x3FD9]  }
0x89: {  	s3 =	sld [smem:$0x3FFE];
	_ =	sdelay $0x1  }
0x8a: {  	s1 =	srdreg.scid  }
0x8b: {  	s0 =	sand.u32 $0x1, s1  }
0x8c: {  	s15 =	sshll.u32 s0, $0xA;
	s2 =	sadd.s32 s3, s2  }
0x8d: {  	s2 =	sadd.s32 s2, s15  }
0x8e: {  	[smem:$0x3FC6] =	sst s2  }
0x8f: {  	_ = 	snop  }
0x90: {  	s2 =	sld [smem:$0x3FD0];
	_ =	sdelay $0x1  }
0x91: {  	s16 =	sld [smem:$0x3FC9]  }
0x92: {  	s5 =	simm.s32 $0xA;
	s6 =	simm.s32 $0x10;
	s4 =	sld [smem:$0x3FC8]  }
0x93: {  	[smem:s6], [sflag:s5] =	dma.local [hbm:s2], $0x1  }
0x94: {  	_ =	swait.eq [sflag:s5], $0x1  }
0x95: {  	[sflag:s5] =	ssyncset.done $0x0  }
0x96: {  	s17 =	sld [smem:$0x10];
	[sflag:s5] =	ssyncadd.s32 $0xFFFFFFFF  }
0x97: {  	s18 =	sld [smem:$0x11];
	(tm) =	ssettm $0x1  }
0x98: {  	s19 =	sld [smem:$0x3FFB];
	_ =	sdelay $0x3  }
0x99: {  	_ =	strace s19  }
0x9a: {  	s6 =	sld [smem:$0x3FFC];
	_ =	sdelay $0x3  }
0x9b: {  	_ =	strace s6  }
0x9c: {  	s6 =	sld [smem:$0x3FFD];
	_ =	sdelay $0x3  }
0x9d: {  	_ =	strace s6  }
0x9e: {  	_ =	strace $0x8FFFFFFF  }
0x9f: {  	s20 =	sld [smem:$0x3FDB];
	_ =	sdelay $0x1  }
0xa0: {  	s7 =	simm.s32 $_scs_section_size  }
0xa1: {  	s8 =	simm.s32 $_size__tile_overlayer_lowered;
	s9 =	simm.s32 $_tile_overlayer_lowered  }
0xa2: {  	s23 =	simm.s32 $0x1BFF;
	s22 =	sshll.u32 s9, $0x1;
	s6 =	sadd.s32 s7, s20  }
0xa3: {  	s10 =	simm.s32 $0x0;
	s21 =	sshll.u32 s8, $0x1;
	s8 =	sadd.s32 s22, s6  }
0xa4: {  	[timem:s10], [sflag:s23] =	dma.local [hbm:s8], s21  }
0xa5: {  	_ =	swait.ge [sflag:s23], s21  }
0xa6: {  	s7 =	ssub.s32 $0x0, s21;
	[sflag:s23] =	ssyncset.done $0x0  }
0xa7: {  	[sflag:s23] =	ssyncadd.s32 s7;
	_ =	sdelay $0x1  }
0xa8: {  	s24 =	simm.s32 $0x1B8B  }
0xa9: {  	_ =	swait.ge [sflag:s24], $0x1  }
0xaa: {  	[sflag:s24] =	ssyncset.done $0x0  }
0xab: {  	s25 =	simm.s32 $0x1B8E;
	[sflag:s24] =	ssyncadd.s32 $0xFFFFFFFF  }
0xac: {  	s26 =	simm.s32 $execute0_lowered;
	[smem:$0x3FD2] =	sst s25  }
0xad: {  	s7 =	sshll.u32 s26, $0x1;
	_ =	strace $0x80000046;
	[dreg:$0x1] =	wrdreg $0xFFFFFFFF  }
0xae: {  	s28 =	simm.s32 $_size_execute0_lowered;
	s6 =	sadd.s32 s6, s7;
	[dreg:$0x0] =	wrdreg $0x0  }
0xaf: {  	s7 =	sshll.u32 s28, $0x1;
	[dreg:$0x2] =	wrdreg s6  }
0xb0: {  	[dreg:$0x3] =	wrdreg s7  }
0xb1: {  	[dreg:$0x4] =	wrdreg $0xC0  }
0xb2: {  	_ =	task [dreg:s10], $0x5FFFF  }
0xb3: {  	[dreg:$0x1] =	wrdreg $0xFFFFFFFF  }
0xb4: {  	[dreg:$0x0] =	wrdreg $0x60  }
0xb5: {  	[dreg:$0x2] =	wrdreg s16  }
0xb6: {  	[dreg:$0x3] =	wrdreg s4  }
0xb7: {  	[dreg:$0x4] =	wrdreg s17  }
0xb8: {  	[dreg:$0x5] =	wrdreg s18  }
0xb9: {  	[dreg:$0x6] =	wrdreg $0x0  }
0xba: {  	[dreg:$0x7] =	wrdreg $0x40000  }
0xbb: {  	[dreg:$0x8] =	wrdreg $0x80000  }
0xbc: {  	[dreg:$0x9] =	wrdreg $0x9  }
0xbd: {  	_ =	task.clear_ibuf [dreg:s10], $0xAFFFF;
	_ =	strace $0x90000046  }
0xbe: {  	s29 =	simm.s32 $0x9;
	_ =	strace $0x80000048  }
0xbf: {  	_ =	swait.ge [sflag:s29], $0x1  }
0xc0: {  	[sflag:s29] =	ssyncadd.s32 $0xFFFFFFFF  }
0xc1: {  	_ =	strace $0x90000048  }
0xc2: {  	_ =	sfence  }
0xc3: {  	s30 =	sld [smem:$0x0];
	_ =	sdelay $0x2  }
0xc4: {  	s31 =	sshll.u32 s1, $0xD;
	s1 =	sshrl.u32 s1, $0x2  }
0xc5: {  	s3 =	sand.u32 $0x4000, s31;
	s1 =	sadd.s32 s1, s30  }
0xc6: {  	s0 =	sor.u32 s3, s0;
	s1 =	sshll.u32 s1, $0x11  }
0xc7: {  	s0 =	sor.u32 s1, s0  }
0xc8: {  	s0 =	sadd.s32 $0x8F2B, s0  }
0xc9: {  	[sflag:s0] =	ssyncadd.remote.s32 $0x1  }
0xca: {  	_ =	sfence.sel $0xFFFF  }
0xcb: {  	[dreg:$0x0] =	wrdreg $0xFFFFFFFF;
	(pc) =	sbr.abs _section_cstart, $3  }
0xcc: {  	[dreg:$0x1] =	wrdreg $0xFFFFFFFF  }
0xcd: {  	_ =	task.clear_ibuf [dreg:s10], $0x2FFFF;
	_ =	strace $0x9FFFFFFF  }
0xce: {  	(tm) =	ssettm $0x7FFFFFFF  }
0xcf: {  	_ =	shalt  }
tec
execute0_lowered:
.L_overlay_start_1:
0x0: {  	(tag) =	ssettag $0x1  }
0x1: {  	s0 =	srdreg.scid;
	s5 =	stileid.u32  }
0x2: {  	s6 =	sand.u32 $0x1, s0;
	s1 =	smul.u32 $0x18000, s5  }
0x3: {  	s7 =	rddreg [dreg:$0x0];
	s10 =	sshll.u32 s6, $0x15  }
0x4: {  	s8 =	rddreg [dreg:$0x2];
	s0 =	simm.s32 $0x0;
	s1 =	sor.u32 s1, s10  }
0x5: {  	s2 =	ssub.s32 $0x2, s6;
	[smem:$0x7FF] =	sst s0;
	s12 =	sadd.s32 $0x80000, s1  }
0x6: {  	s3 =	sshrl.u32 s2, $0x1;
	s14 =	sadd.s32 $0x80C00, s1;
	s13 =	sadd.s32 s7, s12  }
0x7: {  	s9 =	ssub.s32 s2, s3;
	s11 =	sadd.s32 s7, s14;
	[dreg:$0x8] =	wrdreg s13  }
0x8: {  	s4 =	sadd.s32 $0x81800, s1;
	s2 =	sadd.s32 s8, s12;
	[dreg:$0x9] =	wrdreg s11  }
0x9: {  	s15 =	sadd.s32 s7, s4;
	[dreg:$0xa] =	wrdreg s2  }
0xa: {  	s17 =	sadd.s32 $0x82400, s1;
	s16 =	sadd.s32 s8, s14;
	[dreg:$0xb] =	wrdreg s15  }
0xb: {  	s19 =	sadd.s32 s7, s17;
	[dreg:$0xc] =	wrdreg s16  }
0xc: {  	s18 =	sadd.s32 $0x83000, s1;
	s4 =	sadd.s32 s8, s4;
	[dreg:$0xd] =	wrdreg s19  }
0xd: {  	s21 =	sadd.s32 $0x83C00, s1;
	s20 =	sadd.s32 s7, s18;
	[dreg:$0xe] =	wrdreg s4  }
0xe: {  	s23 =	sadd.s32 s7, s21;
	[dreg:$0xf] =	wrdreg s20  }
0xf: {  	s22 =	sadd.s32 $0x84800, s1;
	s3 =	sadd.s32 s8, s18;
	[dreg:$0x11] =	wrdreg s23  }
0x10: {  	s25 =	sadd.s32 $0x85400, s1;
	s24 =	sadd.s32 s7, s22;
	[dreg:$0x12] =	wrdreg s3  }
0x11: {  	s26 =	sadd.s32 $0x86000, s1;
	s31 =	sadd.s32 s7, s25;
	[dreg:$0x13] =	wrdreg s24  }
0x12: {  	s12 =	sadd.s32 s7, s26;
	[dreg:$0x15] =	wrdreg s31  }
0x13: {  	s2 =	sadd.s32 s8, s17;
	[dreg:$0x17] =	wrdreg s12  }
0x14: {  	s4 =	sadd.s32 s8, s22;
	[dreg:$0x10] =	wrdreg s2  }
0x15: {  	s14 =	sadd.s32 $0x86C00, s1;
	s13 =	sadd.s32 s8, s26;
	[dreg:$0x16] =	wrdreg s4  }
0x16: {  	s18 =	sadd.s32 $0x88400, s1;
	s15 =	sadd.s32 s7, s14;
	[dreg:$0x19] =	wrdreg s13  }
0x17: {  	s19 =	sadd.s32 s7, s18;
	[dreg:$0x1a] =	wrdreg s15  }
0x18: {  	s16 =	sadd.s32 $0x87800, s1;
	s2 =	sadd.s32 s8, s21;
	[dreg:$0x1e] =	wrdreg s19  }
0x19: {  	s20 =	sadd.s32 $0x89000, s1;
	s17 =	sadd.s32 s7, s16;
	[dreg:$0x14] =	wrdreg s2  }
0x1a: {  	s22 =	sadd.s32 $0x89C00, s1;
	s21 =	sadd.s32 s7, s20;
	[dreg:$0x1c] =	wrdreg s17  }
0x1b: {  	s26 =	sadd.s32 $0x8B400, s1;
	s23 =	sadd.s32 s7, s22;
	[smem:$0x7B1] =	sst s21  }
0x1c: {  	s12 =	sadd.s32 $0x8CC00, s1;
	s31 =	sadd.s32 s7, s26;
	[smem:$0x7B3] =	sst s23  }
0x1d: {  	s13 =	sadd.s32 s7, s12;
	[smem:$0x7B7] =	sst s31  }
0x1e: {  	s24 =	sadd.s32 $0x8A800, s1;
	s2 =	sadd.s32 s8, s25;
	[smem:$0x7BB] =	sst s13  }
0x1f: {  	s4 =	sadd.s32 $0x8C000, s1;
	s25 =	sadd.s32 s7, s24;
	[dreg:$0x18] =	wrdreg s2  }
0x20: {  	s11 =	sadd.s32 s7, s4;
	[smem:$0x7B5] =	sst s25  }
0x21: {  	s2 =	sadd.s32 s8, s14;
	[smem:$0x7B9] =	sst s11  }
0x22: {  	s14 =	sadd.s32 $0x8D800, s1;
	[dreg:$0x1b] =	wrdreg s2;
	s2 =	sadd.s32 s8, s16  }
0x23: {  	s15 =	sadd.s32 s7, s14;
	[dreg:$0x1d] =	wrdreg s2  }
0x24: {  	s16 =	sadd.s32 $0x8E400, s1;
	s2 =	sadd.s32 s8, s18;
	[smem:$0x7BD] =	sst s15  }
0x25: {  	s17 =	sadd.s32 s7, s16;
	[dreg:$0x1f] =	wrdreg s2  }
0x26: {  	s18 =	sadd.s32 $0x8F000, s1;
	s2 =	sadd.s32 s8, s20;
	[smem:$0x7BF] =	sst s17  }
0x27: {  	s19 =	sadd.s32 s7, s18;
	[smem:$0x7B2] =	sst s2  }
0x28: {  	s20 =	sadd.s32 $0x8FC00, s1;
	s2 =	sadd.s32 s8, s22;
	[smem:$0x7C1] =	sst s19  }
0x29: {  	s21 =	sadd.s32 s7, s20;
	[smem:$0x7B4] =	sst s2  }
0x2a: {  	s22 =	sadd.s32 $0x90800, s1;
	s2 =	sadd.s32 s8, s24;
	[smem:$0x7C3] =	sst s21  }
0x2b: {  	s23 =	sadd.s32 s7, s22;
	[smem:$0x7B6] =	sst s2  }
0x2c: {  	s24 =	sadd.s32 $0x91400, s1;
	s2 =	sadd.s32 s8, s26;
	[smem:$0x7C5] =	sst s23  }
0x2d: {  	s25 =	sadd.s32 s7, s24;
	[smem:$0x7B8] =	sst s2  }
0x2e: {  	s26 =	sadd.s32 $0x92000, s1;
	s2 =	sadd.s32 s8, s4;
	[smem:$0x7C7] =	sst s25  }
0x2f: {  	s31 =	sadd.s32 s7, s26;
	[smem:$0x7BA] =	sst s2  }
0x30: {  	s4 =	sadd.s32 $0x92C00, s1;
	s2 =	sadd.s32 s8, s12;
	[smem:$0x7C9] =	sst s31  }
0x31: {  	s25 =	sor.u32 $0x8000, s10;
	s11 =	sadd.s32 s7, s4;
	[smem:$0x7BC] =	sst s2  }
0x32: {  	s31 =	sadd.s32 s8, s25;
	[smem:$0x7CB] =	sst s11  }
0x33: {  	s12 =	sadd.s32 $0x93800, s1;
	s2 =	sadd.s32 s8, s14;
	[smem:$0x7D9] =	sst s31  }
0x34: {  	s13 =	sadd.s32 s7, s12;
	[smem:$0x7BE] =	sst s2  }
0x35: {  	s14 =	sadd.s32 $0x94400, s1;
	s2 =	sadd.s32 s8, s16;
	[smem:$0x7CD] =	sst s13  }
0x36: {  	s15 =	sadd.s32 s7, s14;
	[smem:$0x7C0] =	sst s2  }
0x37: {  	s16 =	sadd.s32 $0x95000, s1;
	s2 =	sadd.s32 s8, s18;
	[smem:$0x7CF] =	sst s15  }
0x38: {  	s13 =	sor.u32 $0x18000, s10;
	s17 =	sadd.s32 s7, s16;
	[smem:$0x7C2] =	sst s2  }
0x39: {  	s15 =	sadd.s32 s8, s13;
	[smem:$0x7D1] =	sst s17  }
0x3a: {  	s18 =	sadd.s32 $0x95C00, s1;
	s2 =	sadd.s32 s8, s20;
	[smem:$0x7DD] =	sst s15  }
0x3b: {  	s19 =	sadd.s32 s7, s18;
	[smem:$0x7C4] =	sst s2  }
0x3c: {  	s20 =	sadd.s32 $0x96800, s1;
	s2 =	sadd.s32 s8, s22;
	[smem:$0x7D3] =	sst s19  }
0x3d: {  	s22 =	sadd.s32 s7, s20;
	[smem:$0x7C6] =	sst s2  }
0x3e: {  	s23 =	sadd.s32 s8, s20;
	[smem:$0x7D5] =	sst s22  }
0x3f: {  	s21 =	sadd.s32 $0x97400, s1;
	s2 =	sadd.s32 s8, s24;
	[smem:$0x7D6] =	sst s23  }
0x40: {  	s19 =	sor.u32 $0x28000, s10;
	s24 =	sadd.s32 s7, s21;
	[smem:$0x7C8] =	sst s2  }
0x41: {  	s20 =	sadd.s32 s7, s19;
	[smem:$0x7D7] =	sst s24  }
0x42: {  	s2 =	sadd.s32 s8, s26;
	[smem:$0x7E0] =	sst s20  }
0x43: {  	s22 =	sor.u32 $0x30000, s10;
	s26 =	sadd.s32 s7, s25;
	[smem:$0x7CA] =	sst s2  }
0x44: {  	s23 =	sadd.s32 s7, s22;
	[smem:$0x7D8] =	sst s26  }
0x45: {  	s24 =	sadd.s32 s8, s22;
	[smem:$0x7E2] =	sst s23  }
0x46: {  	s25 =	sor.u32 $0x38000, s10;
	s2 =	sadd.s32 s8, s4;
	[smem:$0x7E3] =	sst s24  }
0x47: {  	s4 =	sadd.s32 s8, s21;
	s21 =	sadd.s32 s8, s19;
	[smem:$0x7CC] =	sst s2  }
0x48: {  	s26 =	sadd.s32 s7, s25;
	[smem:$0x7E1] =	sst s21  }
0x49: {  	s22 =	sor.u32 $0x60000, s10;
	s31 =	sadd.s32 s8, s25;
	[smem:$0x7E4] =	sst s26  }
0x4a: {  	s23 =	sadd.s32 s7, s22;
	[smem:$0x7E5] =	sst s31  }
0x4b: {  	s24 =	sadd.s32 s8, s22;
	[smem:$0x7EE] =	sst s23  }
0x4c: {  	s28 =	simm.s32 $0x9;
	s29 =	simm.s32 $0xB;
	[smem:$0x7EF] =	sst s24  }
0x4d: {  	s19 =	sor.u32 $0x58000, s10;
	s2 =	sadd.s32 s8, s12;
	s24 =	rddreg [dreg:$0x5]  }
0x4e: {  	s30 =	simm.s32 $0xC;
	s20 =	sadd.s32 s7, s19;
	[smem:$0x7CE] =	sst s2  }
0x4f: {  	s25 =	sor.u32 $0x68000, s10;
	s21 =	sadd.s32 s8, s19;
	[smem:$0x7EC] =	sst s20  }
0x50: {  	p0 =	sne.s32 s5, $0x0;
	s26 =	sadd.s32 s7, s25;
	[smem:$0x7ED] =	sst s21  }
0x51: {  	s6 =	sor.u32 s6, s5;
	s31 =	sadd.s32 s8, s25;
	[smem:$0x7F0] =	sst s26  }
0x52: {  	p1 =	sne.s32 s6, $0x0;
	s19 =	sadd.s32 s7, s10;
	[smem:$0x7F1] =	sst s31  }
0x53: {  	s5 =	smax.u32 s9, $0x1;
	s9 =	simm.s32 $0x1C01;
	[smem:$0x7F8] =	sst s19  }
0x54: {  	s11 =	simm.s32 $0x1;
	s2 =	sadd.s32 s8, s14;
	s31 =	rddreg [dreg:$0x6]  }
0x55: {  	s14 =	sadd.s32 s7, s13;
	s13 =	sor.u32 $0x48000, s10;
	[smem:$0x7D0] =	sst s2  }
0x56: {  	s20 =	sadd.s32 s8, s10;
	s21 =	sor.u32 $0x88000, s10;
	[smem:$0x7DC] =	sst s14  }
0x57: {  	s19 =	simm.s32 $0x5;
	s2 =	sadd.s32 s8, s16;
	[smem:$0x7F9] =	sst s20  }
0x58: {  	s16 =	sor.u32 $0x20000, s10;
	s14 =	sadd.s32 s7, s13;
	[smem:$0x7D2] =	sst s2  }
0x59: {  	s15 =	sadd.s32 s8, s13;
	s13 =	sor.u32 $0x78000, s10;
	[smem:$0x7E8] =	sst s14  }
0x5a: {  	s22 =	sadd.s32 s7, s21;
	s25 =	sadd.s32 s8, s21;
	[smem:$0x7E9] =	sst s15  }
0x5b: {  	s20 =	simm.s32 $0x6;
	s21 =	simm.s32 $0xC000;
	[smem:$0x7FA] =	sst s22  }
0x5c: {  	s2 =	sadd.s32 s8, s18;
	s17 =	sadd.s32 s7, s16;
	[smem:$0x7FC] =	sst s25  }
0x5d: {  	s18 =	sadd.s32 s8, s16;
	s16 =	sor.u32 $0x50000, s10;
	[smem:$0x7D4] =	sst s2  }
0x5e: {  	s14 =	sadd.s32 s7, s13;
	s15 =	sadd.s32 s8, s13;
	[smem:$0x7DE] =	sst s17  }
0x5f: {  	s13 =	simm.s32 $0x1C03;
	s22 =	simm.s32 $0x12000;
	[smem:$0x7DF] =	sst s18  }
0x60: {  	s25 =	simm.s32 $0x8;
	s2 =	sor.u32 $0x10000, s10;
	[smem:$0x7F4] =	sst s14  }
0x61: {  	s17 =	sadd.s32 s7, s16;
	s18 =	sadd.s32 s8, s16;
	[smem:$0x7F5] =	sst s15  }
0x62: {  	s16 =	sor.u32 $0x80000, s10;
	s14 =	simm.s32 $0x2;
	[smem:$0x7EA] =	sst s17  }
0x63: {  	s15 =	simm.s32 $0x1C05;
	s3 =	sadd.s32 s7, s2;
	[smem:$0x7EB] =	sst s18  }
0x64: {  	s12 =	sadd.s32 s8, s2;
	s2 =	sor.u32 $0x40000, s10;
	[smem:$0x7DA] =	sst s3  }
0x65: {  	s17 =	sadd.s32 s7, s16;
	s18 =	sadd.s32 s8, s16;
	[smem:$0x7DB] =	sst s12  }
0x66: {  	s16 =	simm.s32 $0x4;
	s3 =	sadd.s32 s7, s2;
	[smem:$0x7F6] =	sst s17  }
0x67: {  	s12 =	sadd.s32 s8, s2;
	s2 =	sor.u32 $0x70000, s10;
	[smem:$0x7F7] =	sst s18  }
0x68: {  	s10 =	sor.u32 $0x90000, s10;
	s17 =	simm.s32 $0x3;
	[smem:$0x7E6] =	sst s3  }
0x69: {  	s18 =	simm.s32 $0x1C06;
	[smem:$0x7E7] =	sst s12;
	s3 =	sadd.s32 s7, s2  }
0x6a: {  	s12 =	sadd.s32 s8, s2;
	s23 =	sadd.s32 s7, s10;
	[smem:$0x7F2] =	sst s3  }
.Ltmp0:
0x6b: {  	s26 =	sadd.s32 s8, s10;
	[smem:$0x7F3] =	sst s12;
	(pc) =	sbr.rel .LBB2_1-.Ltmp0, $4  }
0x6c: {  	s7 =	sshrl.u32 s24, $0x3;
	s8 =	sshrl.u32 s31, $0x3;
	s12 =	rddreg [dreg:$0x4]  }
0x6d: {  	s10 =	simm.s32 $0x1C02;
	s24 =	simm.s32 $0x18000;
	[smem:$0x7FB] =	sst s23  }
0x6e: {  	[smem:$0x7FD] =	sst s26;
	s23 =	simm.s32 $0x7;
	s26 =	simm.s32 $0xA  }
0x6f: {  	_ =	strace $0x80000047;
	s6 =	sshrl.u32 s12, $0x3;
	s12 =	simm.s32 $0x1C04  }
.LBB2_3:
0x70: {  	s1 =	rddreg [dreg:$0x8]  }
0x71: {  	[tilespmem:s21], [sflag:$0x7] =	stream.linear.gather [hbm4b:s1+s0], $0x6000, $0x38;
	[tilespmem:$0x1E080] =	vst v63  }
0x72: {  	s3 =	rddreg [dreg:$0x9]  }
0x73: {  	[tilespmem:s22], [sflag:$0x8] =	stream.linear.gather [hbm4b:s3+s0], $0x6000, $0x38;
	[tilespmem:$0x1E080] =	vst v63  }
0x74: {  	_ =	swait.ge [sflag:s23], $0x6000  }
0x75: {  	[sflag:s23] =	ssyncset.done $0x0  }
0x76: {  	s31 =	rddreg [dreg:$0xa];
	[sflag:s23] =	ssyncadd.s32 $0xFFFFA000  }
0x77: {  	[hbm4b:s31+s0] =	stream.linear.scatter [tilespmem:s21], [sflag:$0xA], $0x6000, $0x38;
	[tilespmem:$0x1E080] =	vst v63  }
0x78: {  	s2 =	rddreg [dreg:$0xb]  }
0x79: {  	[tilespmem:s24], [sflag:$0x9] =	stream.linear.gather [hbm4b:s2+s0], $0x6000, $0x38;
	[tilespmem:$0x1E080] =	vst v63  }
0x7a: {  	_ =	swait.ge [sflag:s25], $0x6000  }
0x7b: {  	[sflag:s25] =	ssyncset.done $0x0  }
0x7c: {  	s3 =	rddreg [dreg:$0xc];
	[sflag:s25] =	ssyncadd.s32 $0xFFFFA000  }
0x7d: {  	[hbm4b:s3+s0] =	stream.linear.scatter [tilespmem:s22], [sflag:$0xB], $0x6000, $0x38;
	[tilespmem:$0x1E080] =	vst v63  }
0x7e: {  	_ =	swait.ge [sflag:s26], $0x6000  }
0x7f: {  	[sflag:s26] =	ssyncset.done $0x0  }
0x80: {  	s31 =	rddreg [dreg:$0xd];
	[sflag:s26] =	ssyncadd.s32 $0xFFFFA000  }
0x81: {  	[tilespmem:s21], [sflag:$0x7] =	stream.linear.gather [hbm4b:s31+s0], $0x6000, $0x38;
	[tilespmem:$0x1E080] =	vst v63  }
0x82: {  	_ =	swait.ge [sflag:s28], $0x6000  }
0x83: {  	[sflag:s28] =	ssyncset.done $0x0  }
0x84: {  	s2 =	rddreg [dreg:$0xe];
	[sflag:s28] =	ssyncadd.s32 $0xFFFFA000  }
0x85: {  	[hbm4b:s2+s0] =	stream.linear.scatter [tilespmem:s24], [sflag:$0xC], $0x6000, $0x38;
	[tilespmem:$0x1E080] =	vst v63  }
0x86: {  	_ =	swait.ge [sflag:s29], $0x6000  }
0x87: {  	[sflag:s29] =	ssyncset.done $0x0  }
0x88: {  	s3 =	rddreg [dreg:$0xf];
	[sflag:s29] =	ssyncadd.s32 $0xFFFFA000  }
0x89: {  	[tilespmem:s22], [sflag:$0x8] =	stream.linear.gather [hbm4b:s3+s0], $0x6000, $0x38;
	[tilespmem:$0x1E080] =	vst v63  }
0x8a: {  	_ =	swait.ge [sflag:s23], $0x6000  }
0x8b: {  	[sflag:s23] =	ssyncset.done $0x0  }
0x8c: {  	s31 =	rddreg [dreg:$0x10];
	[sflag:s23] =	ssyncadd.s32 $0xFFFFA000  }
0x8d: {  	[hbm4b:s31+s0] =	stream.linear.scatter [tilespmem:s21], [sflag:$0xA], $0x6000, $0x38;
	[tilespmem:$0x1E080] =	vst v63  }
0x8e: {  	_ =	swait.ge [sflag:s30], $0x6000  }
0x8f: {  	[sflag:s30] =	ssyncset.done $0x0  }
0x90: {  	s2 =	rddreg [dreg:$0x11];
	[sflag:s30] =	ssyncadd.s32 $0xFFFFA000  }
0x91: {  	[tilespmem:s24], [sflag:$0x9] =	stream.linear.gather [hbm4b:s2+s0], $0x6000, $0x38;
	[tilespmem:$0x1E080] =	vst v63  }
0x92: {  	_ =	swait.ge [sflag:s25], $0x6000  }
0x93: {  	[sflag:s25] =	ssyncset.done $0x0  }
0x94: {  	s3 =	rddreg [dreg:$0x12];
	[sflag:s25] =	ssyncadd.s32 $0xFFFFA000  }
0x95: {  	[hbm4b:s3+s0] =	stream.linear.scatter [tilespmem:s22], [sflag:$0xB], $0x6000, $0x38;
	[tilespmem:$0x1E080] =	vst v63  }
0x96: {  	_ =	swait.ge [sflag:s26], $0x6000  }
0x97: {  	[sflag:s26] =	ssyncset.done $0x0  }
0x98: {  	s31 =	rddreg [dreg:$0x13];
	[sflag:s26] =	ssyncadd.s32 $0xFFFFA000  }
0x99: {  	[tilespmem:s21], [sflag:$0x7] =	stream.linear.gather [hbm4b:s31+s0], $0x6000, $0x38;
	[tilespmem:$0x1E080] =	vst v63  }
0x9a: {  	_ =	swait.ge [sflag:s28], $0x6000  }
0x9b: {  	[sflag:s28] =	ssyncset.done $0x0  }
0x9c: {  	s2 =	rddreg [dreg:$0x14];
	[sflag:s28] =	ssyncadd.s32 $0xFFFFA000  }
0x9d: {  	[hbm4b:s2+s0] =	stream.linear.scatter [tilespmem:s24], [sflag:$0xC], $0x6000, $0x38;
	[tilespmem:$0x1E080] =	vst v63  }
0x9e: {  	_ =	swait.ge [sflag:s29], $0x6000  }
0x9f: {  	[sflag:s29] =	ssyncset.done $0x0  }
0xa0: {  	s3 =	rddreg [dreg:$0x15];
	[sflag:s29] =	ssyncadd.s32 $0xFFFFA000  }
0xa1: {  	[tilespmem:s22], [sflag:$0x8] =	stream.linear.gather [hbm4b:s3+s0], $0x6000, $0x38;
	[tilespmem:$0x1E080] =	vst v63  }
0xa2: {  	_ =	swait.ge [sflag:s23], $0x6000  }
0xa3: {  	[sflag:s23] =	ssyncset.done $0x0  }
0xa4: {  	s31 =	rddreg [dreg:$0x16];
	[sflag:s23] =	ssyncadd.s32 $0xFFFFA000  }
0xa5: {  	[hbm4b:s31+s0] =	stream.linear.scatter [tilespmem:s21], [sflag:$0xA], $0x6000, $0x38;
	[tilespmem:$0x1E080] =	vst v63  }
0xa6: {  	_ =	swait.ge [sflag:s30], $0x6000  }
0xa7: {  	[sflag:s30] =	ssyncset.done $0x0  }
0xa8: {  	s2 =	rddreg [dreg:$0x17];
	[sflag:s30] =	ssyncadd.s32 $0xFFFFA000  }
0xa9: {  	[tilespmem:s24], [sflag:$0x9] =	stream.linear.gather [hbm4b:s2+s0], $0x6000, $0x38;
	[tilespmem:$0x1E080] =	vst v63  }
0xaa: {  	_ =	swait.ge [sflag:s25], $0x6000  }
0xab: {  	[sflag:s25] =	ssyncset.done $0x0  }
0xac: {  	s3 =	rddreg [dreg:$0x18];
	[sflag:s25] =	ssyncadd.s32 $0xFFFFA000  }
0xad: {  	[hbm4b:s3+s0] =	stream.linear.scatter [tilespmem:s22], [sflag:$0xB], $0x6000, $0x38;
	[tilespmem:$0x1E080] =	vst v63  }
0xae: {  	_ =	swait.ge [sflag:s26], $0x6000  }
0xaf: {  	[sflag:s26] =	ssyncset.done $0x0  }
0xb0: {  	s31 =	rddreg [dreg:$0x1a];
	[sflag:s26] =	ssyncadd.s32 $0xFFFFA000  }
0xb1: {  	[tilespmem:s21], [sflag:$0x7] =	stream.linear.gather [hbm4b:s31+s0], $0x6000, $0x38;
	[tilespmem:$0x1E080] =	vst v63  }
0xb2: {  	_ =	swait.ge [sflag:s28], $0x6000  }
0xb3: {  	[sflag:s28] =	ssyncset.done $0x0  }
0xb4: {  	s2 =	rddreg [dreg:$0x19];
	[sflag:s28] =	ssyncadd.s32 $0xFFFFA000  }
0xb5: {  	[hbm4b:s2+s0] =	stream.linear.scatter [tilespmem:s24], [sflag:$0xC], $0x6000, $0x38;
	[tilespmem:$0x1E080] =	vst v63  }
0xb6: {  	_ =	swait.ge [sflag:s29], $0x6000  }
0xb7: {  	[sflag:s29] =	ssyncset.done $0x0  }
0xb8: {  	s3 =	rddreg [dreg:$0x1c];
	[sflag:s29] =	ssyncadd.s32 $0xFFFFA000  }
0xb9: {  	[tilespmem:s22], [sflag:$0x8] =	stream.linear.gather [hbm4b:s3+s0], $0x6000, $0x38;
	[tilespmem:$0x1E080] =	vst v63  }
0xba: {  	_ =	swait.ge [sflag:s23], $0x6000  }
0xbb: {  	[sflag:s23] =	ssyncset.done $0x0  }
0xbc: {  	s31 =	rddreg [dreg:$0x1b];
	[sflag:s23] =	ssyncadd.s32 $0xFFFFA000  }
0xbd: {  	[hbm4b:s31+s0] =	stream.linear.scatter [tilespmem:s21], [sflag:$0xA], $0x6000, $0x38;
	[tilespmem:$0x1E080] =	vst v63  }
0xbe: {  	_ =	swait.ge [sflag:s30], $0x6000  }
0xbf: {  	[sflag:s30] =	ssyncset.done $0x0  }
0xc0: {  	s2 =	rddreg [dreg:$0x1e];
	[sflag:s30] =	ssyncadd.s32 $0xFFFFA000  }
0xc1: {  	[tilespmem:s24], [sflag:$0x9] =	stream.linear.gather [hbm4b:s2+s0], $0x6000, $0x38;
	[tilespmem:$0x1E080] =	vst v63  }
0xc2: {  	_ =	swait.ge [sflag:s25], $0x6000  }
0xc3: {  	[sflag:s25] =	ssyncset.done $0x0  }
0xc4: {  	s3 =	rddreg [dreg:$0x1d];
	[sflag:s25] =	ssyncadd.s32 $0xFFFFA000  }
0xc5: {  	[hbm4b:s3+s0] =	stream.linear.scatter [tilespmem:s22], [sflag:$0xB], $0x6000, $0x38;
	[tilespmem:$0x1E080] =	vst v63  }
0xc6: {  	_ =	swait.ge [sflag:s26], $0x6000  }
0xc7: {  	s31 =	sld [smem:$0x7B1]  }
0xc8: {  	[sflag:s26] =	ssyncset.done $0x0  }
0xc9: {  	[sflag:s26] =	ssyncadd.s32 $0xFFFFA000  }
0xca: {  	[tilespmem:s21], [sflag:$0x7] =	stream.linear.gather [hbm4b:s31+s0], $0x6000, $0x38;
	[tilespmem:$0x1E080] =	vst v63  }
0xcb: {  	_ =	swait.ge [sflag:s28], $0x6000  }
0xcc: {  	[sflag:s28] =	ssyncset.done $0x0  }
0xcd: {  	s2 =	rddreg [dreg:$0x1f];
	[sflag:s28] =	ssyncadd.s32 $0xFFFFA000  }
0xce: {  	[hbm4b:s2+s0] =	stream.linear.scatter [tilespmem:s24], [sflag:$0xC], $0x6000, $0x38;
	[tilespmem:$0x1E080] =	vst v63  }
0xcf: {  	_ =	swait.ge [sflag:s29], $0x6000  }
0xd0: {  	s3 =	sld [smem:$0x7B3]  }
0xd1: {  	[sflag:s29] =	ssyncset.done $0x0  }
0xd2: {  	[sflag:s29] =	ssyncadd.s32 $0xFFFFA000  }
0xd3: {  	[tilespmem:s22], [sflag:$0x8] =	stream.linear.gather [hbm4b:s3+s0], $0x6000, $0x38;
	[tilespmem:$0x1E080] =	vst v63  }
0xd4: {  	_ =	swait.ge [sflag:s23], $0x6000  }
0xd5: {  	s31 =	sld [smem:$0x7B2]  }
0xd6: {  	[sflag:s23] =	ssyncset.done $0x0  }
0xd7: {  	[sflag:s23] =	ssyncadd.s32 $0xFFFFA000  }
0xd8: {  	[hbm4b:s31+s0] =	stream.linear.scatter [tilespmem:s21], [sflag:$0xA], $0x6000, $0x38;
	[tilespmem:$0x1E080] =	vst v63  }
0xd9: {  	_ =	swait.ge [sflag:s30], $0x6000  }
0xda: {  	s2 =	sld [smem:$0x7B5]  }
0xdb: {  	[sflag:s30] =	ssyncset.done $0x0  }
0xdc: {  	[sflag:s30] =	ssyncadd.s32 $0xFFFFA000  }
0xdd: {  	[tilespmem:s24], [sflag:$0x9] =	stream.linear.gather [hbm4b:s2+s0], $0x6000, $0x38;
	[tilespmem:$0x1E080] =	vst v63  }
0xde: {  	_ =	swait.ge [sflag:s25], $0x6000  }
0xdf: {  	s3 =	sld [smem:$0x7B4]  }
0xe0: {  	[sflag:s25] =	ssyncset.done $0x0  }
0xe1: {  	[sflag:s25] =	ssyncadd.s32 $0xFFFFA000  }
0xe2: {  	[hbm4b:s3+s0] =	stream.linear.scatter [tilespmem:s22], [sflag:$0xB], $0x6000, $0x38;
	[tilespmem:$0x1E080] =	vst v63  }
0xe3: {  	_ =	swait.ge [sflag:s26], $0x6000  }
0xe4: {  	s31 =	sld [smem:$0x7B7]  }
0xe5: {  	[sflag:s26] =	ssyncset.done $0x0  }
0xe6: {  	[sflag:s26] =	ssyncadd.s32 $0xFFFFA000  }
0xe7: {  	[tilespmem:s21], [sflag:$0x7] =	stream.linear.gather [hbm4b:s31+s0], $0x6000, $0x38;
	[tilespmem:$0x1E080] =	vst v63  }
0xe8: {  	_ =	swait.ge [sflag:s28], $0x6000  }
0xe9: {  	s2 =	sld [smem:$0x7B6]  }
0xea: {  	[sflag:s28] =	ssyncset.done $0x0  }
0xeb: {  	[sflag:s28] =	ssyncadd.s32 $0xFFFFA000  }
0xec: {  	[hbm4b:s2+s0] =	stream.linear.scatter [tilespmem:s24], [sflag:$0xC], $0x6000, $0x38;
	[tilespmem:$0x1E080] =	vst v63  }
0xed: {  	_ =	swait.ge [sflag:s29], $0x6000  }
0xee: {  	s3 =	sld [smem:$0x7B9]  }
0xef: {  	[sflag:s29] =	ssyncset.done $0x0  }
0xf0: {  	[sflag:s29] =	ssyncadd.s32 $0xFFFFA000  }
0xf1: {  	[tilespmem:s22], [sflag:$0x8] =	stream.linear.gather [hbm4b:s3+s0], $0x6000, $0x38;
	[tilespmem:$0x1E080] =	vst v63  }
0xf2: {  	_ =	swait.ge [sflag:s23], $0x6000  }
0xf3: {  	s31 =	sld [smem:$0x7B8]  }
0xf4: {  	[sflag:s23] =	ssyncset.done $0x0  }
0xf5: {  	[sflag:s23] =	ssyncadd.s32 $0xFFFFA000  }
0xf6: {  	[hbm4b:s31+s0] =	stream.linear.scatter [tilespmem:s21], [sflag:$0xA], $0x6000, $0x38;
	[tilespmem:$0x1E080] =	vst v63  }
0xf7: {  	_ =	swait.ge [sflag:s30], $0x6000  }
0xf8: {  	s2 =	sld [smem:$0x7BB]  }
0xf9: {  	[sflag:s30] =	ssyncset.done $0x0  }
0xfa: {  	[sflag:s30] =	ssyncadd.s32 $0xFFFFA000  }
0xfb: {  	[tilespmem:s24], [sflag:$0x9] =	stream.linear.gather [hbm4b:s2+s0], $0x6000, $0x38;
	[tilespmem:$0x1E080] =	vst v63  }
0xfc: {  	_ =	swait.ge [sflag:s25], $0x6000  }
0xfd: {  	s3 =	sld [smem:$0x7BA]  }
0xfe: {  	[sflag:s25] =	ssyncset.done $0x0  }
0xff: {  	[sflag:s25] =	ssyncadd.s32 $0xFFFFA000  }
0x100: {  	[hbm4b:s3+s0] =	stream.linear.scatter [tilespmem:s22], [sflag:$0xB], $0x6000, $0x38;
	[tilespmem:$0x1E080] =	vst v63  }
0x101: {  	_ =	swait.ge [sflag:s26], $0x6000  }
0x102: {  	s31 =	sld [smem:$0x7BD]  }
0x103: {  	[sflag:s26] =	ssyncset.done $0x0  }
0x104: {  	[sflag:s26] =	ssyncadd.s32 $0xFFFFA000  }
0x105: {  	[tilespmem:s21], [sflag:$0x7] =	stream.linear.gather [hbm4b:s31+s0], $0x6000, $0x38;
	[tilespmem:$0x1E080] =	vst v63  }
0x106: {  	_ =	swait.ge [sflag:s28], $0x6000  }
0x107: {  	s2 =	sld [smem:$0x7BC]  }
0x108: {  	[sflag:s28] =	ssyncset.done $0x0  }
0x109: {  	[sflag:s28] =	ssyncadd.s32 $0xFFFFA000  }
0x10a: {  	[hbm4b:s2+s0] =	stream.linear.scatter [tilespmem:s24], [sflag:$0xC], $0x6000, $0x38;
	[tilespmem:$0x1E080] =	vst v63  }
0x10b: {  	_ =	swait.ge [sflag:s29], $0x6000  }
0x10c: {  	s3 =	sld [smem:$0x7BF]  }
0x10d: {  	[sflag:s29] =	ssyncset.done $0x0  }
0x10e: {  	[sflag:s29] =	ssyncadd.s32 $0xFFFFA000  }
0x10f: {  	[tilespmem:s22], [sflag:$0x8] =	stream.linear.gather [hbm4b:s3+s0], $0x6000, $0x38;
	[tilespmem:$0x1E080] =	vst v63  }
0x110: {  	_ =	swait.ge [sflag:s23], $0x6000  }
0x111: {  	s31 =	sld [smem:$0x7BE]  }
0x112: {  	[sflag:s23] =	ssyncset.done $0x0  }
0x113: {  	[sflag:s23] =	ssyncadd.s32 $0xFFFFA000  }
0x114: {  	[hbm4b:s31+s0] =	stream.linear.scatter [tilespmem:s21], [sflag:$0xA], $0x6000, $0x38;
	[tilespmem:$0x1E080] =	vst v63  }
0x115: {  	_ =	swait.ge [sflag:s30], $0x6000  }
0x116: {  	s2 =	sld [smem:$0x7C1]  }
0x117: {  	[sflag:s30] =	ssyncset.done $0x0  }
0x118: {  	[sflag:s30] =	ssyncadd.s32 $0xFFFFA000  }
0x119: {  	[tilespmem:s24], [sflag:$0x9] =	stream.linear.gather [hbm4b:s2+s0], $0x6000, $0x38;
	[tilespmem:$0x1E080] =	vst v63  }
0x11a: {  	_ =	swait.ge [sflag:s25], $0x6000  }
0x11b: {  	s3 =	sld [smem:$0x7C0]  }
0x11c: {  	[sflag:s25] =	ssyncset.done $0x0  }
0x11d: {  	[sflag:s25] =	ssyncadd.s32 $0xFFFFA000  }
0x11e: {  	[hbm4b:s3+s0] =	stream.linear.scatter [tilespmem:s22], [sflag:$0xB], $0x6000, $0x38;
	[tilespmem:$0x1E080] =	vst v63  }
0x11f: {  	_ =	swait.ge [sflag:s26], $0x6000  }
0x120: {  	s31 =	sld [smem:$0x7C3]  }
0x121: {  	[sflag:s26] =	ssyncset.done $0x0  }
0x122: {  	[sflag:s26] =	ssyncadd.s32 $0xFFFFA000  }
0x123: {  	[tilespmem:s21], [sflag:$0x7] =	stream.linear.gather [hbm4b:s31+s0], $0x6000, $0x38;
	[tilespmem:$0x1E080] =	vst v63  }
0x124: {  	_ =	swait.ge [sflag:s28], $0x6000  }
0x125: {  	s2 =	sld [smem:$0x7C2]  }
0x126: {  	[sflag:s28] =	ssyncset.done $0x0  }
0x127: {  	[sflag:s28] =	ssyncadd.s32 $0xFFFFA000  }
0x128: {  	[hbm4b:s2+s0] =	stream.linear.scatter [tilespmem:s24], [sflag:$0xC], $0x6000, $0x38;
	[tilespmem:$0x1E080] =	vst v63  }
0x129: {  	_ =	swait.ge [sflag:s29], $0x6000  }
0x12a: {  	s3 =	sld [smem:$0x7C5]  }
0x12b: {  	[sflag:s29] =	ssyncset.done $0x0  }
0x12c: {  	[sflag:s29] =	ssyncadd.s32 $0xFFFFA000  }
0x12d: {  	[tilespmem:s22], [sflag:$0x8] =	stream.linear.gather [hbm4b:s3+s0], $0x6000, $0x38;
	[tilespmem:$0x1E080] =	vst v63  }
0x12e: {  	_ =	swait.ge [sflag:s23], $0x6000  }
0x12f: {  	s31 =	sld [smem:$0x7C4]  }
0x130: {  	[sflag:s23] =	ssyncset.done $0x0  }
0x131: {  	[sflag:s23] =	ssyncadd.s32 $0xFFFFA000  }
0x132: {  	[hbm4b:s31+s0] =	stream.linear.scatter [tilespmem:s21], [sflag:$0xA], $0x6000, $0x38;
	[tilespmem:$0x1E080] =	vst v63  }
0x133: {  	_ =	swait.ge [sflag:s30], $0x6000  }
0x134: {  	s2 =	sld [smem:$0x7C7]  }
0x135: {  	[sflag:s30] =	ssyncset.done $0x0  }
0x136: {  	[sflag:s30] =	ssyncadd.s32 $0xFFFFA000  }
0x137: {  	[tilespmem:s24], [sflag:$0x9] =	stream.linear.gather [hbm4b:s2+s0], $0x6000, $0x38;
	[tilespmem:$0x1E080] =	vst v63  }
0x138: {  	_ =	swait.ge [sflag:s25], $0x6000  }
0x139: {  	s3 =	sld [smem:$0x7C6]  }
0x13a: {  	[sflag:s25] =	ssyncset.done $0x0  }
0x13b: {  	[sflag:s25] =	ssyncadd.s32 $0xFFFFA000  }
0x13c: {  	[hbm4b:s3+s0] =	stream.linear.scatter [tilespmem:s22], [sflag:$0xB], $0x6000, $0x38;
	[tilespmem:$0x1E080] =	vst v63  }
0x13d: {  	_ =	swait.ge [sflag:s26], $0x6000  }
0x13e: {  	s31 =	sld [smem:$0x7C9]  }
0x13f: {  	[sflag:s26] =	ssyncset.done $0x0  }
0x140: {  	[sflag:s26] =	ssyncadd.s32 $0xFFFFA000  }
0x141: {  	[tilespmem:s21], [sflag:$0x7] =	stream.linear.gather [hbm4b:s31+s0], $0x6000, $0x38;
	[tilespmem:$0x1E080] =	vst v63  }
0x142: {  	_ =	swait.ge [sflag:s28], $0x6000  }
0x143: {  	s2 =	sld [smem:$0x7C8]  }
0x144: {  	[sflag:s28] =	ssyncset.done $0x0  }
0x145: {  	[sflag:s28] =	ssyncadd.s32 $0xFFFFA000  }
0x146: {  	[hbm4b:s2+s0] =	stream.linear.scatter [tilespmem:s24], [sflag:$0xC], $0x6000, $0x38;
	[tilespmem:$0x1E080] =	vst v63  }
0x147: {  	_ =	swait.ge [sflag:s29], $0x6000  }
0x148: {  	s3 =	sld [smem:$0x7CB]  }
0x149: {  	[sflag:s29] =	ssyncset.done $0x0  }
0x14a: {  	[sflag:s29] =	ssyncadd.s32 $0xFFFFA000  }
0x14b: {  	[tilespmem:s22], [sflag:$0x8] =	stream.linear.gather [hbm4b:s3+s0], $0x6000, $0x38;
	[tilespmem:$0x1E080] =	vst v63  }
0x14c: {  	_ =	swait.ge [sflag:s23], $0x6000  }
0x14d: {  	s31 =	sld [smem:$0x7CA]  }
0x14e: {  	[sflag:s23] =	ssyncset.done $0x0  }
0x14f: {  	[sflag:s23] =	ssyncadd.s32 $0xFFFFA000  }
0x150: {  	[hbm4b:s31+s0] =	stream.linear.scatter [tilespmem:s21], [sflag:$0xA], $0x6000, $0x38;
	[tilespmem:$0x1E080] =	vst v63  }
0x151: {  	_ =	swait.ge [sflag:s30], $0x6000  }
0x152: {  	s2 =	sld [smem:$0x7CD]  }
0x153: {  	[sflag:s30] =	ssyncset.done $0x0  }
0x154: {  	[sflag:s30] =	ssyncadd.s32 $0xFFFFA000  }
0x155: {  	[tilespmem:s24], [sflag:$0x9] =	stream.linear.gather [hbm4b:s2+s0], $0x6000, $0x38;
	[tilespmem:$0x1E080] =	vst v63  }
0x156: {  	_ =	swait.ge [sflag:s25], $0x6000  }
0x157: {  	s3 =	sld [smem:$0x7CC]  }
0x158: {  	[sflag:s25] =	ssyncset.done $0x0  }
0x159: {  	[sflag:s25] =	ssyncadd.s32 $0xFFFFA000  }
0x15a: {  	[hbm4b:s3+s0] =	stream.linear.scatter [tilespmem:s22], [sflag:$0xB], $0x6000, $0x38;
	[tilespmem:$0x1E080] =	vst v63  }
0x15b: {  	_ =	swait.ge [sflag:s26], $0x6000  }
0x15c: {  	s31 =	sld [smem:$0x7CF]  }
0x15d: {  	[sflag:s26] =	ssyncset.done $0x0  }
0x15e: {  	[sflag:s26] =	ssyncadd.s32 $0xFFFFA000  }
0x15f: {  	[tilespmem:s21], [sflag:$0x7] =	stream.linear.gather [hbm4b:s31+s0], $0x6000, $0x38;
	[tilespmem:$0x1E080] =	vst v63  }
0x160: {  	_ =	swait.ge [sflag:s28], $0x6000  }
0x161: {  	s2 =	sld [smem:$0x7CE]  }
0x162: {  	[sflag:s28] =	ssyncset.done $0x0  }
0x163: {  	[sflag:s28] =	ssyncadd.s32 $0xFFFFA000  }
0x164: {  	[hbm4b:s2+s0] =	stream.linear.scatter [tilespmem:s24], [sflag:$0xC], $0x6000, $0x38;
	[tilespmem:$0x1E080] =	vst v63  }
0x165: {  	_ =	swait.ge [sflag:s29], $0x6000  }
0x166: {  	s3 =	sld [smem:$0x7D1]  }
0x167: {  	[sflag:s29] =	ssyncset.done $0x0  }
0x168: {  	[sflag:s29] =	ssyncadd.s32 $0xFFFFA000  }
0x169: {  	[tilespmem:s22], [sflag:$0x8] =	stream.linear.gather [hbm4b:s3+s0], $0x6000, $0x38;
	[tilespmem:$0x1E080] =	vst v63  }
0x16a: {  	_ =	swait.ge [sflag:s23], $0x6000  }
0x16b: {  	s31 =	sld [smem:$0x7D0]  }
0x16c: {  	[sflag:s23] =	ssyncset.done $0x0  }
0x16d: {  	[sflag:s23] =	ssyncadd.s32 $0xFFFFA000  }
0x16e: {  	[hbm4b:s31+s0] =	stream.linear.scatter [tilespmem:s21], [sflag:$0xA], $0x6000, $0x38;
	[tilespmem:$0x1E080] =	vst v63  }
0x16f: {  	_ =	swait.ge [sflag:s30], $0x6000  }
0x170: {  	s2 =	sld [smem:$0x7D3]  }
0x171: {  	[sflag:s30] =	ssyncset.done $0x0  }
0x172: {  	[sflag:s30] =	ssyncadd.s32 $0xFFFFA000  }
0x173: {  	[tilespmem:s24], [sflag:$0x9] =	stream.linear.gather [hbm4b:s2+s0], $0x6000, $0x38;
	[tilespmem:$0x1E080] =	vst v63  }
0x174: {  	_ =	swait.ge [sflag:s25], $0x6000  }
0x175: {  	s3 =	sld [smem:$0x7D2]  }
0x176: {  	[sflag:s25] =	ssyncset.done $0x0  }
0x177: {  	[sflag:s25] =	ssyncadd.s32 $0xFFFFA000  }
0x178: {  	[hbm4b:s3+s0] =	stream.linear.scatter [tilespmem:s22], [sflag:$0xB], $0x6000, $0x38;
	[tilespmem:$0x1E080] =	vst v63  }
0x179: {  	_ =	swait.ge [sflag:s26], $0x6000  }
0x17a: {  	s31 =	sld [smem:$0x7D5]  }
0x17b: {  	[sflag:s26] =	ssyncset.done $0x0  }
0x17c: {  	[sflag:s26] =	ssyncadd.s32 $0xFFFFA000  }
0x17d: {  	[tilespmem:s21], [sflag:$0x7] =	stream.linear.gather [hbm4b:s31+s0], $0x6000, $0x38;
	[tilespmem:$0x1E080] =	vst v63  }
0x17e: {  	_ =	swait.ge [sflag:s28], $0x6000  }
0x17f: {  	s2 =	sld [smem:$0x7D4]  }
0x180: {  	[sflag:s28] =	ssyncset.done $0x0  }
0x181: {  	[sflag:s28] =	ssyncadd.s32 $0xFFFFA000  }
0x182: {  	[hbm4b:s2+s0] =	stream.linear.scatter [tilespmem:s24], [sflag:$0xC], $0x6000, $0x38;
	[tilespmem:$0x1E080] =	vst v63  }
0x183: {  	_ =	swait.ge [sflag:s29], $0x6000  }
0x184: {  	s3 =	sld [smem:$0x7D7]  }
0x185: {  	[sflag:s29] =	ssyncset.done $0x0  }
0x186: {  	[sflag:s29] =	ssyncadd.s32 $0xFFFFA000  }
0x187: {  	[tilespmem:s22], [sflag:$0x8] =	stream.linear.gather [hbm4b:s3+s0], $0x6000, $0x38;
	[tilespmem:$0x1E080] =	vst v63  }
0x188: {  	_ =	swait.ge [sflag:s23], $0x6000  }
0x189: {  	s31 =	sld [smem:$0x7D6]  }
0x18a: {  	[sflag:s23] =	ssyncset.done $0x0  }
0x18b: {  	[sflag:s23] =	ssyncadd.s32 $0xFFFFA000  }
0x18c: {  	[hbm4b:s31+s0] =	stream.linear.scatter [tilespmem:s21], [sflag:$0xA], $0x6000, $0x38;
	[tilespmem:$0x1E080] =	vst v63  }
0x18d: {  	_ =	swait.ge [sflag:s25], $0x6000  }
0x18e: {  	[sflag:s25] =	ssyncset.done $0x0  }
0x18f: {  	[sflag:s25] =	ssyncadd.s32 $0xFFFFA000  }
0x190: {  	[hbm4b:s4+s0] =	stream.linear.scatter [tilespmem:s22], [sflag:$0xB], $0x6000, $0x38;
	[tilespmem:$0x1E080] =	vst v63  }
0x191: {  	_ =	swait.ge [sflag:s30], $0x6000  }
0x192: {  	[sflag:s30] =	ssyncset.done $0x0  }
0x193: {  	[sflag:s30] =	ssyncadd.s32 $0xFFFFA000  }
0x194: {  	_ =	swait.ge [sflag:s26], $0x6000  }
0x195: {  	[sflag:s26] =	ssyncset.done $0x0  }
0x196: {  	[sflag:s26] =	ssyncadd.s32 $0xFFFFA000  }
0x197: {  	_ =	swait.ge [sflag:s29], $0x6000  }
0x198: {  	[sflag:s29] =	ssyncset.done $0x0  }
0x199: {  	[sflag:s29] =	ssyncadd.s32 $0xFFFFA000  }
.LBB2_4:
0x19a: {  	s31 =	simm.s32 @!p1 $0x0;
	s1 =	simm.s32 @!p1 $0x1E000;
	s2 =	rddreg [dreg:$0x1]  }
0x19b: {  	[tilespmem:s1], [sflag:$0xD] =	stream.linear.gather @!p1 [hbm4b:s2+s31], $0x80, $0x38;
	[tilespmem:$0x1E080] =	vst v63  }
0x19c: {  	s2 =	simm.s32 @!p1 $0xD  }
0x19d: {  	_ =	swait.ge @!p1 [sflag:s2], $0x80  }
0x19e: {  	s5 =	sadd.s32 $0xFFFFFFFF, s5;
	[sflag:s2] =	ssyncset.done @!p1 $0x0  }
0x19f: {  	p2 =	sne.s32 s5, $0x0;
	[sflag:s2] =	ssyncadd.s32 @!p1 $0xFFFFFF80  }
.Ltmp1:
0x1a0: {  	s3 =	rddreg [dreg:$0x3];
	(pc) =	sbr.rel @!p2 .LBB2_5-.Ltmp1, $4  }
0x1a1: {  	[hbm4b:s3+s31] =	stream.linear.scatter @!p1 [tilespmem:s1], [sflag:$0xD], $0x80, $0x38;
	[tilespmem:$0x1E080] =	vst v63  }
0x1a2: {  	_ =	swait.ge @!p1 [sflag:s2], $0x80  }
0x1a3: {  	[sflag:s2] =	ssyncset.done @!p1 $0x0  }
0x1a4: {  	[sflag:s2] =	ssyncadd.s32 @!p1 $0xFFFFFF80  }
.LBB2_1:
.Ltmp2:
0x1a5: {  	(pc) =	sbr.rel @p0 .LBB2_3-.Ltmp2, $1  }
0x1a6: {  	_ =	sdelay $0x3  }
0x1a7: {  	s1 =	sld [smem:$0x7F8];
	_ =	sdelay $0x2  }
0x1a8: {  	[spmem:s6], [sflag:s9] =	dma.local [hbm:s1], $0x8000  }
0x1a9: {  	s1 =	sld [smem:$0x7D8];
	_ =	sdelay $0x2  }
0x1aa: {  	[spmem:s7], [sflag:s10] =	dma.local [hbm:s1], $0x8000  }
0x1ab: {  	_ =	swait.ge [sflag:s11], $0x8000  }
0x1ac: {  	s3 =	sld [smem:$0x7F9]  }
0x1ad: {  	[sflag:s11] =	ssyncset.done $0x0  }
0x1ae: {  	[sflag:s11] =	ssyncadd.s32 $0xFFFF8000  }
0x1af: {  	[hbm:s3], [sflag:s12] =	dma.local [spmem:s6], $0x8000  }
0x1b0: {  	s1 =	sld [smem:$0x7DA];
	_ =	sdelay $0x2  }
0x1b1: {  	[spmem:s8], [sflag:s13] =	dma.local [hbm:s1], $0x8000  }
0x1b2: {  	_ =	swait.ge [sflag:s14], $0x8000  }
0x1b3: {  	s31 =	sld [smem:$0x7D9]  }
0x1b4: {  	[sflag:s14] =	ssyncset.done $0x0  }
0x1b5: {  	[sflag:s14] =	ssyncadd.s32 $0xFFFF8000  }
0x1b6: {  	[hbm:s31], [sflag:s15] =	dma.local [spmem:s7], $0x8000  }
0x1b7: {  	_ =	swait.ge [sflag:s16], $0x8000  }
0x1b8: {  	s2 =	sld [smem:$0x7DC]  }
0x1b9: {  	[sflag:s16] =	ssyncset.done $0x0  }
0x1ba: {  	[sflag:s16] =	ssyncadd.s32 $0xFFFF8000  }
0x1bb: {  	[spmem:s6], [sflag:s9] =	dma.local [hbm:s2], $0x8000  }
0x1bc: {  	_ =	swait.ge [sflag:s17], $0x8000  }
0x1bd: {  	s3 =	sld [smem:$0x7DB]  }
0x1be: {  	[sflag:s17] =	ssyncset.done $0x0  }
0x1bf: {  	[sflag:s17] =	ssyncadd.s32 $0xFFFF8000  }
0x1c0: {  	[hbm:s3], [sflag:s18] =	dma.local [spmem:s8], $0x8000  }
0x1c1: {  	_ =	swait.ge [sflag:s19], $0x8000  }
0x1c2: {  	s31 =	sld [smem:$0x7DE]  }
0x1c3: {  	[sflag:s19] =	ssyncset.done $0x0  }
0x1c4: {  	[sflag:s19] =	ssyncadd.s32 $0xFFFF8000  }
0x1c5: {  	[spmem:s7], [sflag:s10] =	dma.local [hbm:s31], $0x8000  }
0x1c6: {  	_ =	swait.ge [sflag:s11], $0x8000  }
0x1c7: {  	s2 =	sld [smem:$0x7DD]  }
0x1c8: {  	[sflag:s11] =	ssyncset.done $0x0  }
0x1c9: {  	[sflag:s11] =	ssyncadd.s32 $0xFFFF8000  }
0x1ca: {  	[hbm:s2], [sflag:s12] =	dma.local [spmem:s6], $0x8000  }
0x1cb: {  	_ =	swait.ge [sflag:s20], $0x8000  }
0x1cc: {  	s3 =	sld [smem:$0x7E0]  }
0x1cd: {  	[sflag:s20] =	ssyncset.done $0x0  }
0x1ce: {  	[sflag:s20] =	ssyncadd.s32 $0xFFFF8000  }
0x1cf: {  	[spmem:s8], [sflag:s13] =	dma.local [hbm:s3], $0x8000  }
0x1d0: {  	_ =	swait.ge [sflag:s14], $0x8000  }
0x1d1: {  	s31 =	sld [smem:$0x7DF]  }
0x1d2: {  	[sflag:s14] =	ssyncset.done $0x0  }
0x1d3: {  	[sflag:s14] =	ssyncadd.s32 $0xFFFF8000  }
0x1d4: {  	[hbm:s31], [sflag:s15] =	dma.local [spmem:s7], $0x8000  }
0x1d5: {  	_ =	swait.ge [sflag:s16], $0x8000  }
0x1d6: {  	s2 =	sld [smem:$0x7E2]  }
0x1d7: {  	[sflag:s16] =	ssyncset.done $0x0  }
0x1d8: {  	[sflag:s16] =	ssyncadd.s32 $0xFFFF8000  }
0x1d9: {  	[spmem:s6], [sflag:s9] =	dma.local [hbm:s2], $0x8000  }
0x1da: {  	_ =	swait.ge [sflag:s17], $0x8000  }
0x1db: {  	s3 =	sld [smem:$0x7E1]  }
0x1dc: {  	[sflag:s17] =	ssyncset.done $0x0  }
0x1dd: {  	[sflag:s17] =	ssyncadd.s32 $0xFFFF8000  }
0x1de: {  	[hbm:s3], [sflag:s18] =	dma.local [spmem:s8], $0x8000  }
0x1df: {  	_ =	swait.ge [sflag:s19], $0x8000  }
0x1e0: {  	s31 =	sld [smem:$0x7E4]  }
0x1e1: {  	[sflag:s19] =	ssyncset.done $0x0  }
0x1e2: {  	[sflag:s19] =	ssyncadd.s32 $0xFFFF8000  }
0x1e3: {  	[spmem:s7], [sflag:s10] =	dma.local [hbm:s31], $0x8000  }
0x1e4: {  	_ =	swait.ge [sflag:s11], $0x8000  }
0x1e5: {  	s2 =	sld [smem:$0x7E3]  }
0x1e6: {  	[sflag:s11] =	ssyncset.done $0x0  }
0x1e7: {  	[sflag:s11] =	ssyncadd.s32 $0xFFFF8000  }
0x1e8: {  	[hbm:s2], [sflag:s12] =	dma.local [spmem:s6], $0x8000  }
0x1e9: {  	_ =	swait.ge [sflag:s20], $0x8000  }
0x1ea: {  	s3 =	sld [smem:$0x7E6]  }
0x1eb: {  	[sflag:s20] =	ssyncset.done $0x0  }
0x1ec: {  	[sflag:s20] =	ssyncadd.s32 $0xFFFF8000  }
0x1ed: {  	[spmem:s8], [sflag:s13] =	dma.local [hbm:s3], $0x8000  }
0x1ee: {  	_ =	swait.ge [sflag:s14], $0x8000  }
0x1ef: {  	s31 =	sld [smem:$0x7E5]  }
0x1f0: {  	[sflag:s14] =	ssyncset.done $0x0  }
0x1f1: {  	[sflag:s14] =	ssyncadd.s32 $0xFFFF8000  }
0x1f2: {  	[hbm:s31], [sflag:s15] =	dma.local [spmem:s7], $0x8000  }
0x1f3: {  	_ =	swait.ge [sflag:s16], $0x8000  }
0x1f4: {  	s2 =	sld [smem:$0x7E8]  }
0x1f5: {  	[sflag:s16] =	ssyncset.done $0x0  }
0x1f6: {  	[sflag:s16] =	ssyncadd.s32 $0xFFFF8000  }
0x1f7: {  	[spmem:s6], [sflag:s9] =	dma.local [hbm:s2], $0x8000  }
0x1f8: {  	_ =	swait.ge [sflag:s17], $0x8000  }
0x1f9: {  	s3 =	sld [smem:$0x7E7]  }
0x1fa: {  	[sflag:s17] =	ssyncset.done $0x0  }
0x1fb: {  	[sflag:s17] =	ssyncadd.s32 $0xFFFF8000  }
0x1fc: {  	[hbm:s3], [sflag:s18] =	dma.local [spmem:s8], $0x8000  }
0x1fd: {  	_ =	swait.ge [sflag:s19], $0x8000  }
0x1fe: {  	s31 =	sld [smem:$0x7EA]  }
0x1ff: {  	[sflag:s19] =	ssyncset.done $0x0  }
0x200: {  	[sflag:s19] =	ssyncadd.s32 $0xFFFF8000  }
0x201: {  	[spmem:s7], [sflag:s10] =	dma.local [hbm:s31], $0x8000  }
0x202: {  	_ =	swait.ge [sflag:s11], $0x8000  }
0x203: {  	s2 =	sld [smem:$0x7E9]  }
0x204: {  	[sflag:s11] =	ssyncset.done $0x0  }
0x205: {  	[sflag:s11] =	ssyncadd.s32 $0xFFFF8000  }
0x206: {  	[hbm:s2], [sflag:s12] =	dma.local [spmem:s6], $0x8000  }
0x207: {  	_ =	swait.ge [sflag:s20], $0x8000  }
0x208: {  	s3 =	sld [smem:$0x7EC]  }
0x209: {  	[sflag:s20] =	ssyncset.done $0x0  }
0x20a: {  	[sflag:s20] =	ssyncadd.s32 $0xFFFF8000  }
0x20b: {  	[spmem:s8], [sflag:s13] =	dma.local [hbm:s3], $0x8000  }
0x20c: {  	_ =	swait.ge [sflag:s14], $0x8000  }
0x20d: {  	s31 =	sld [smem:$0x7EB]  }
0x20e: {  	[sflag:s14] =	ssyncset.done $0x0  }
0x20f: {  	[sflag:s14] =	ssyncadd.s32 $0xFFFF8000  }
0x210: {  	[hbm:s31], [sflag:s15] =	dma.local [spmem:s7], $0x8000  }
0x211: {  	_ =	swait.ge [sflag:s16], $0x8000  }
0x212: {  	s2 =	sld [smem:$0x7EE]  }
0x213: {  	[sflag:s16] =	ssyncset.done $0x0  }
0x214: {  	[sflag:s16] =	ssyncadd.s32 $0xFFFF8000  }
0x215: {  	[spmem:s6], [sflag:s9] =	dma.local [hbm:s2], $0x8000  }
0x216: {  	_ =	swait.ge [sflag:s17], $0x8000  }
0x217: {  	s3 =	sld [smem:$0x7ED]  }
0x218: {  	[sflag:s17] =	ssyncset.done $0x0  }
0x219: {  	[sflag:s17] =	ssyncadd.s32 $0xFFFF8000  }
0x21a: {  	[hbm:s3], [sflag:s18] =	dma.local [spmem:s8], $0x8000  }
0x21b: {  	_ =	swait.ge [sflag:s19], $0x8000  }
0x21c: {  	s31 =	sld [smem:$0x7F0]  }
0x21d: {  	[sflag:s19] =	ssyncset.done $0x0  }
0x21e: {  	[sflag:s19] =	ssyncadd.s32 $0xFFFF8000  }
0x21f: {  	[spmem:s7], [sflag:s10] =	dma.local [hbm:s31], $0x8000  }
0x220: {  	_ =	swait.ge [sflag:s11], $0x8000  }
0x221: {  	s2 =	sld [smem:$0x7EF]  }
0x222: {  	[sflag:s11] =	ssyncset.done $0x0  }
0x223: {  	[sflag:s11] =	ssyncadd.s32 $0xFFFF8000  }
0x224: {  	[hbm:s2], [sflag:s12] =	dma.local [spmem:s6], $0x8000  }
0x225: {  	_ =	swait.ge [sflag:s20], $0x8000  }
0x226: {  	s3 =	sld [smem:$0x7F2]  }
0x227: {  	[sflag:s20] =	ssyncset.done $0x0  }
0x228: {  	[sflag:s20] =	ssyncadd.s32 $0xFFFF8000  }
0x229: {  	[spmem:s8], [sflag:s13] =	dma.local [hbm:s3], $0x8000  }
0x22a: {  	_ =	swait.ge [sflag:s14], $0x8000  }
0x22b: {  	s31 =	sld [smem:$0x7F1]  }
0x22c: {  	[sflag:s14] =	ssyncset.done $0x0  }
0x22d: {  	[sflag:s14] =	ssyncadd.s32 $0xFFFF8000  }
0x22e: {  	[hbm:s31], [sflag:s15] =	dma.local [spmem:s7], $0x8000  }
0x22f: {  	_ =	swait.ge [sflag:s16], $0x8000  }
0x230: {  	s2 =	sld [smem:$0x7F4]  }
0x231: {  	[sflag:s16] =	ssyncset.done $0x0  }
0x232: {  	[sflag:s16] =	ssyncadd.s32 $0xFFFF8000  }
0x233: {  	[spmem:s6], [sflag:s9] =	dma.local [hbm:s2], $0x8000  }
0x234: {  	_ =	swait.ge [sflag:s17], $0x8000  }
0x235: {  	s3 =	sld [smem:$0x7F3]  }
0x236: {  	[sflag:s17] =	ssyncset.done $0x0  }
0x237: {  	[sflag:s17] =	ssyncadd.s32 $0xFFFF8000  }
0x238: {  	[hbm:s3], [sflag:s18] =	dma.local [spmem:s8], $0x8000  }
0x239: {  	_ =	swait.ge [sflag:s19], $0x8000  }
0x23a: {  	s31 =	sld [smem:$0x7F6]  }
0x23b: {  	[sflag:s19] =	ssyncset.done $0x0  }
0x23c: {  	[sflag:s19] =	ssyncadd.s32 $0xFFFF8000  }
0x23d: {  	[spmem:s7], [sflag:s10] =	dma.local [hbm:s31], $0x8000  }
0x23e: {  	_ =	swait.ge [sflag:s11], $0x8000  }
0x23f: {  	s2 =	sld [smem:$0x7F5]  }
0x240: {  	[sflag:s11] =	ssyncset.done $0x0  }
0x241: {  	[sflag:s11] =	ssyncadd.s32 $0xFFFF8000  }
0x242: {  	[hbm:s2], [sflag:s12] =	dma.local [spmem:s6], $0x8000  }
0x243: {  	_ =	swait.ge [sflag:s20], $0x8000  }
0x244: {  	s3 =	sld [smem:$0x7FA]  }
0x245: {  	[sflag:s20] =	ssyncset.done $0x0  }
0x246: {  	[sflag:s20] =	ssyncadd.s32 $0xFFFF8000  }
0x247: {  	[spmem:s8], [sflag:s13] =	dma.local [hbm:s3], $0x8000  }
0x248: {  	_ =	swait.ge [sflag:s14], $0x8000  }
0x249: {  	s31 =	sld [smem:$0x7F7]  }
0x24a: {  	[sflag:s14] =	ssyncset.done $0x0  }
0x24b: {  	[sflag:s14] =	ssyncadd.s32 $0xFFFF8000  }
0x24c: {  	[hbm:s31], [sflag:s15] =	dma.local [spmem:s7], $0x8000  }
0x24d: {  	_ =	swait.ge [sflag:s16], $0x8000  }
0x24e: {  	s2 =	sld [smem:$0x7FB]  }
0x24f: {  	[sflag:s16] =	ssyncset.done $0x0  }
0x250: {  	[sflag:s16] =	ssyncadd.s32 $0xFFFF8000  }
0x251: {  	[spmem:s6], [sflag:s9] =	dma.local [hbm:s2], $0x8000  }
0x252: {  	_ =	swait.ge [sflag:s17], $0x8000  }
0x253: {  	s3 =	sld [smem:$0x7FC]  }
0x254: {  	[sflag:s17] =	ssyncset.done $0x0  }
0x255: {  	[sflag:s17] =	ssyncadd.s32 $0xFFFF8000  }
0x256: {  	[hbm:s3], [sflag:s18] =	dma.local [spmem:s8], $0x8000  }
0x257: {  	_ =	swait.ge [sflag:s11], $0x8000  }
0x258: {  	s31 =	sld [smem:$0x7FD]  }
0x259: {  	[sflag:s11] =	ssyncset.done $0x0  }
0x25a: {  	[sflag:s11] =	ssyncadd.s32 $0xFFFF8000  }
0x25b: {  	[hbm:s31], [sflag:s12] =	dma.local [spmem:s6], $0x8000  }
0x25c: {  	_ =	swait.ge [sflag:s19], $0x8000  }
0x25d: {  	[sflag:s19] =	ssyncset.done $0x0  }
0x25e: {  	[sflag:s19] =	ssyncadd.s32 $0xFFFF8000  }
0x25f: {  	_ =	swait.ge [sflag:s20], $0x8000  }
.Ltmp3:
0x260: {  	[sflag:s20] =	ssyncset.done $0x0;
	(pc) =	sbr.rel .LBB2_4-.Ltmp3, $4  }
0x261: {  	[sflag:s20] =	ssyncadd.s32 $0xFFFF8000  }
0x262: {  	_ =	swait.ge [sflag:s16], $0x8000  }
0x263: {  	[sflag:s16] =	ssyncset.done $0x0  }
0x264: {  	[sflag:s16] =	ssyncadd.s32 $0xFFFF8000  }
.LBB2_5:
0x265: {  	_ =	sfence.sel $0x180000  }
0x266: {  	[bflag:$0x0] =	sbarrier.arrive $0xFFFF  }
0x267: {  	_ =	strace $0x90000047  }
0x268: {  	[bflag:$0x2] =	sbarrier.arrive $0xFFFF  }
0x269: {  	s0 =	rddreg [dreg:$0x7]  }
0x26a: {  	s0 =	sadd.s32 @!p0 $0x100000, s0  }
0x26b: {  	[sflag:s0] =	ssyncadd.tile.s32 @!p0 $0x1;
	_ =	shalt  }
.Lfunc_end2:
_tile_overlayer_lowered:
.L_overlay_start_2:
0x26c: {  	(tag) =	ssettag $0x2  }
0x26d: {  	s0 =	rddreg [dreg:$0x0];
	s2 =	stileid.u32  }
0x26e: {  	s1 =	rddreg [dreg:$0x1];
	p0 =	sne.s32 s2, $0x0  }
0x26f: {  	s3 =	rddreg [dreg:$0x2];
	[bflag:$0x3] =	sbarrier.arrive $0xFFFF;
	s2 =	simm.s32 @!p0 $0x1C0D  }
0x270: {  	[timem:s3], [sflag:s2] =	dma.local @!p0 [hbm:s0], s1  }
0x271: {  	s0 =	simm.s32 @!p0 $0xD  }
0x272: {  	_ =	swait.ge @!p0 [sflag:s0], s1  }
0x273: {  	s1 =	ssub.s32 @!p0 $0x0, s1;
	[sflag:s0] =	ssyncset.done @!p0 $0x0  }
0x274: {  	[sflag:s0] =	ssyncadd.s32 @!p0 s1  }
0x275: {  	[bflag:$0x3] =	sbarrier.arrive $0xFFFF  }
0x276: {  	_ =	shalt  }

</sc_bundles>
